<compile_context>
chip_gen: v7x
topology: tpu7x:2x2x1
jax: 0.10.2.dev20260603
libtpu: 0.0.44.dev20260713+nightly
codegen_flags: <defaults>
</compile_context>

<pallas_src>
import functools

import jax
import jax.numpy as jnp
from jax import lax
from jax.experimental import pallas as pl
from jax.experimental.pallas import tpu as pltpu
from jax.experimental.pallas import tpu_sc as plsc

B, R, C = 16, 512, 512
NC, NS, L = 2, 16, 16
NW = NC * NS
MU0 = 0.8

SC_B = 6
ROWS_PER_TILE = SC_B * R // NW
CHUNK_ROWS = 32
NCHUNK = ROWS_PER_TILE // CHUNK_ROWS
GROUPS = CHUNK_ROWS * C // (4 * L)

TC_B = B - SC_B
TC_BAND = 512
TC_G = TC_B * (R // TC_BAND)

_mesh = plsc.VectorSubcoreMesh(
    core_axis_name="c", subcore_axis_name="s", num_cores=NC, num_subcores=NS
)


@functools.partial(
    pl.kernel,
    compiler_params=pltpu.CompilerParams(needs_layout_passes=False),
    out_type=jax.ShapeDtypeStruct((NW, 4, L), jnp.float32),
    mesh=_mesh,
    scratch_types=[
        pltpu.VMEM((CHUNK_ROWS, C), jnp.float32),
        pltpu.VMEM((CHUNK_ROWS, C), jnp.float32),
        pltpu.VMEM((CHUNK_ROWS, C), jnp.float32),
        pltpu.VMEM((CHUNK_ROWS, C), jnp.float32),
        pltpu.VMEM((CHUNK_ROWS, C), jnp.int8),
        pltpu.VMEM((CHUNK_ROWS, C), jnp.int8),
        pltpu.VMEM((8, L), jnp.float32),
        pltpu.VMEM((4, L), jnp.float32),
        pltpu.SemaphoreType.DMA,
        pltpu.SemaphoreType.DMA,
        pltpu.SemaphoreType.DMA,
    ],
)
def _partials(a_hbm, b_hbm, m_hbm, sc_hbm, part_hbm,
              a0, a1, b0, b1, m0, m1, scv, stage, sem0, sem1, scsem):
    wid = lax.axis_index("s") * NC + lax.axis_index("c")
    abufs, bbufs, mbufs, sems = (a0, a1), (b0, b1), (m0, m1), (sem0, sem1)

    pltpu.async_copy(sc_hbm, scv, scsem)

    def start(k):
        cur = k % 2
        gr = wid * ROWS_PER_TILE + k * CHUNK_ROWS
        bidx = gr >> 9
        r0 = pl.multiple_of(gr & (R - 1), CHUNK_ROWS)
        rows = pl.ds(r0, CHUNK_ROWS)
        return (
            pltpu.async_copy(a_hbm.at[bidx, rows, :], abufs[cur], sems[cur]),
            pltpu.async_copy(b_hbm.at[bidx, rows, :], bbufs[cur], sems[cur]),
            pltpu.async_copy(m_hbm.at[bidx, rows, :], mbufs[cur], sems[cur]),
        )

    handles = [None] * NCHUNK
    handles[0] = start(0)

    iota = lax.iota(jnp.int32, L)
    stride4 = iota * 4

    pltpu.make_async_copy(sc_hbm, scv, scsem).wait()
    r_p1 = scv[0, :]
    r_p3 = scv[1, :]
    r_p2 = scv[2, :]
    r_p4 = scv[3, :]

    n = jnp.zeros((L,), jnp.float32)
    s = jnp.zeros((L,), jnp.float32)
    q = jnp.zeros((L,), jnp.float32)

    for k in range(NCHUNK):
        cur = k % 2
        if k + 1 < NCHUNK:
            handles[k + 1] = start(k + 1)
        for h in handles[k]:
            h.wait()
        av, bv, mv = abufs[cur], bbufs[cur], mbufs[cur]

        def g_body(g, carry, av=av, bv=bv, mv=mv):
            n, s, q = carry
            row = g >> 3
            cb = g & 7
            rowv = jnp.broadcast_to(row, (L,))
            w16 = plsc.bitcast(mv[row, pl.ds(cb * 64, 64)], jnp.int32)
            col0 = cb * 64 + stride4
            for j in range(4):
                m = ((w16 >> (8 * j)) & 1).astype(jnp.float32)
                colv = col0 + j
                va = plsc.load_gather(av, [rowv, colv])
                vb = plsc.load_gather(bv, [rowv, colv])
                bb = vb + r_p4
                num = (va * r_p1 + r_p3) + vb * r_p2
                t = num / bb
                dm = m * t
                n = n + m
                s = s + dm
                q = q + dm * t
            return (n, s, q)

        n, s, q = lax.fori_loop(0, GROUPS, g_body, (n, s, q))

    stage[0, :] = n
    stage[1, :] = s
    stage[2, :] = q
    stage[3, :] = jnp.zeros((L,), jnp.float32)
    pltpu.sync_copy(stage, part_hbm.at[wid])


def _tc_body(sc_ref, a_ref, b_ref, t_ref, o_ref):
    i = pl.program_id(0)

    @pl.when(i == 0)
    def _():
        o_ref[...] = jnp.zeros((3, 8, C), jnp.float32)

    r_p1 = sc_ref[0]
    r_p3 = sc_ref[1]
    r_p2 = sc_ref[2]
    r_p4 = sc_ref[3]
    av = a_ref[0]
    bv = b_ref[0]
    m = t_ref[0].astype(jnp.float32)
    bb = bv + r_p4
    num = (av * r_p1 + r_p3) + bv * r_p2
    r0 = pl.reciprocal(bb, approx=True)
    r = r0 * (2.0 - bb * r0)
    t = num * r
    dm = m * t
    qv = dm * t

    def fold(x):
        return jnp.sum(x.reshape(-1, 8, C), axis=0)

    o_ref[0] += fold(m)
    o_ref[1] += fold(dm)
    o_ref[2] += fold(qv)


_tc_moments = pl.pallas_call(
    _tc_body,
    grid=(TC_G,),
    in_specs=[
        pl.BlockSpec(memory_space=pltpu.SMEM),
        pl.BlockSpec((1, TC_BAND, C), lambda i: (SC_B + i // (R // TC_BAND),
                                                 i % (R // TC_BAND), 0)),
        pl.BlockSpec((1, TC_BAND, C), lambda i: (SC_B + i // (R // TC_BAND),
                                                 i % (R // TC_BAND), 0)),
        pl.BlockSpec((1, TC_BAND, C), lambda i: (SC_B + i // (R // TC_BAND),
                                                 i % (R // TC_BAND), 0)),
    ],
    out_specs=pl.BlockSpec((3, 8, C), lambda i: (0, 0, 0)),
    out_shape=jax.ShapeDtypeStruct((3, 8, C), jnp.float32),
    compiler_params=pltpu.CompilerParams(
        dimension_semantics=("arbitrary",),
    ),
)


def _fin_body(part_ref, tc_ref, o_ref):
    n = jnp.sum(part_ref[:, 0, :]) + jnp.sum(tc_ref[0])
    s = jnp.sum(part_ref[:, 1, :]) + jnp.sum(tc_ref[1])
    q = jnp.sum(part_ref[:, 2, :]) + jnp.sum(tc_ref[2])
    mean_sh = s / n
    mean = mean_sh + MU0
    var = (q - s * mean_sh) / (n - 1.0)
    o_ref[0] = var / mean


_finalize = pl.pallas_call(
    _fin_body,
    out_specs=pl.BlockSpec(memory_space=pltpu.SMEM),
    out_shape=jax.ShapeDtypeStruct((1,), jnp.float32),
)


def kernel(a, b, ts, mina, maxa, minb, maxb):
    tsv = ts.view(jnp.int8)
    sa = maxa - mina
    sb = maxb - minb
    rows = jnp.stack([
        jnp.broadcast_to(sa / sb, (L,)),
        jnp.broadcast_to((mina - MU0 * minb) / sb, (L,)),
        jnp.broadcast_to(jnp.full((1,), -MU0, jnp.float32), (L,)),
        jnp.broadcast_to(minb / sb, (L,)),
        jnp.zeros((L,), jnp.float32),
        jnp.zeros((L,), jnp.float32),
        jnp.zeros((L,), jnp.float32),
        jnp.zeros((L,), jnp.float32),
    ])
    scal = jnp.stack([rows[0, 0], rows[1, 0], rows[2, 0], rows[3, 0],
                      rows[4, 0], rows[5, 0]])
    parts = _partials(a, b, tsv, rows)
    tc_parts = _tc_moments(scal, a, b, tsv)
    out = _finalize(parts, tc_parts)
    return out[0]

# --- scband reference (transcript-rebuilt; emitter-appended) ---
"""Pipeline reference for scband-seg-loss-total-51917564674639 (READ-ONLY COPY).

The authoritative reference and input builder live on the scoring server;
editing this copy changes nothing except your own understanding.
"""

import jax, jax.numpy as jnp
import numpy as np


def setup_inputs(seed: int = 0) -> dict:
    key = jax.random.key(seed)
    k1, k2, k3 = jax.random.split(key, 3)
    a = jax.random.uniform(k1, (16, 512, 512), dtype=jnp.float32)
    b = jax.random.uniform(k2, (16, 512, 512), dtype=jnp.float32)
    ts = jax.random.randint(k3, (16, 512, 512), 0, 2).astype(bool)
    mina = jnp.full((1,), 0.2, dtype=jnp.float32)
    maxa = jnp.full((1,), 1.5, dtype=jnp.float32)
    minb = jnp.full((1,), 0.5, dtype=jnp.float32)
    maxb = jnp.full((1,), 2.0, dtype=jnp.float32)
    return {"a": a, "b": b, "ts": ts, "mina": mina, "maxa": maxa, "minb": minb, "maxb": maxb}


def reference(a, b, ts, mina, maxa, minb, maxb):
    # a = a * (maxa - mina) + mina ; b = b * (maxb - minb) + minb
    aa = a * (maxa - mina) + mina
    bb = b * (maxb - minb) + minb
    c = aa / bb
    # torch.masked_select(c, ts) -> 1D of selected elems; emulate with masked reductions
    mask = ts
    n = jnp.sum(mask).astype(c.dtype)
    s = jnp.sum(jnp.where(mask, c, 0.0))
    c_mean = s / n
    # torch.var default is unbiased (correction=1)
    c_var = jnp.sum(jnp.where(mask, (c - c_mean) ** 2, 0.0)) / (n - 1.0)
    cor = c_var / c_mean
    return cor

if __name__ == "__main__":
    import jax
    _d = setup_inputs()
    print(jax.jit(kernel)(*tuple(_d.values())))

</pallas_src>

<mosaic_0001>
#map = affine_map<(d0, d1) -> (0, 0, 0)>
#map1 = affine_map<(d0, d1) -> (0, 0)>
module attributes {stable_mosaic.version = 14 : i64} {
  func.func @_partials(%arg0: i32, %arg1: i32, %arg2: memref<16x512x512xf32, #tpu.memory_space<hbm>>, %arg3: memref<16x512x512xf32, #tpu.memory_space<hbm>>, %arg4: memref<16x512x512xi8, #tpu.memory_space<hbm>>, %arg5: memref<8x16xf32, #tpu.memory_space<hbm>>, %arg6: memref<32x4x16xf32, #tpu.memory_space<hbm>>, %arg7: memref<32x512xf32, #tpu.memory_space<vmem>>, %arg8: memref<32x512xf32, #tpu.memory_space<vmem>>, %arg9: memref<32x512xf32, #tpu.memory_space<vmem>>, %arg10: memref<32x512xf32, #tpu.memory_space<vmem>>, %arg11: memref<32x512xi8, #tpu.memory_space<vmem>>, %arg12: memref<32x512xi8, #tpu.memory_space<vmem>>, %arg13: memref<8x16xf32, #tpu.memory_space<vmem>>, %arg14: memref<4x16xf32, #tpu.memory_space<vmem>>, %arg15: memref<!tpu.dma_semaphore, #tpu.memory_space<semaphore_mem>>, %arg16: memref<!tpu.dma_semaphore, #tpu.memory_space<semaphore_mem>>, %arg17: memref<!tpu.dma_semaphore, #tpu.memory_space<semaphore_mem>>) attributes {dimension_semantics = [#tpu.dimension_semantics<core_parallel>, #tpu.dimension_semantics<subcore_parallel>], iteration_bounds = array<i64: 2, 16>, scalar_prefetch = 0 : i64, scratch_operands = 11 : i64, tpu.core_type = #tpu.core_type<sc_vector_subcore>, window_params = [{transform_indices = #map}, {transform_indices = #map}, {transform_indices = #map}, {transform_indices = #map1}, {transform_indices = #map}]} {
    %mul3A = arith.constant 2 : i32
    %mul3A_0 = arith.muli %arg1, %mul3A : i32
    %add3A = arith.addi %mul3A_0, %arg0 : i32
    tpu.enqueue_dma source(%arg5 : memref<8x16xf32, #tpu.memory_space<hbm>>) target(%arg13 : memref<8x16xf32, #tpu.memory_space<vmem>>) target_semaphore(%arg17 : memref<!tpu.dma_semaphore, #tpu.memory_space<semaphore_mem>>)
    %mul3A_1 = arith.constant 96 : i32
    %mul3A_2 = arith.muli %add3A, %mul3A_1 : i32
    %add3A_3 = arith.constant 0 : i32
    %add3A_4 = arith.addi %mul3A_2, %add3A_3 : i32
    %shift_right_arithmetic3A = arith.constant 9 : i32
    %shift_right_arithmetic3A_5 = arith.shrsi %add3A_4, %shift_right_arithmetic3A : i32
    %and3A = arith.constant 511 : i32
    %and3A_6 = arith.andi %add3A_4, %and3A : i32
    %multiple_of3A = tpu.assume_multiple %and3A_6, 32 : i32
    %dma_start3A = arith.constant 0 : i32
    %dma_start3A_7 = tpu.memref_slice %arg2[%shift_right_arithmetic3A_5, %multiple_of3A, %dma_start3A] : memref<16x512x512xf32, #tpu.memory_space<hbm>> -> memref<1x32x512xf32, #tpu.memory_space<hbm>>
    %dma_start3A_8 = tpu.memref_squeeze %dma_start3A_7 : memref<1x32x512xf32, #tpu.memory_space<hbm>> -> memref<32x512xf32, #tpu.memory_space<hbm>>
    %dma_start3A_9 = arith.constant 0 : i32
    %dma_start3A_10 = tpu.memref_slice %arg2[%shift_right_arithmetic3A_5, %multiple_of3A, %dma_start3A_9] : memref<16x512x512xf32, #tpu.memory_space<hbm>> -> memref<1x32x512xf32, #tpu.memory_space<hbm>>
    %dma_start3A_11 = tpu.memref_squeeze %dma_start3A_10 : memref<1x32x512xf32, #tpu.memory_space<hbm>> -> memref<32x512xf32, #tpu.memory_space<hbm>>
    tpu.enqueue_dma source(%dma_start3A_11 : memref<32x512xf32, #tpu.memory_space<hbm>>) target(%arg7 : memref<32x512xf32, #tpu.memory_space<vmem>>) target_semaphore(%arg15 : memref<!tpu.dma_semaphore, #tpu.memory_space<semaphore_mem>>)
    %dma_start3A_12 = arith.constant 0 : i32
    %dma_start3A_13 = tpu.memref_slice %arg3[%shift_right_arithmetic3A_5, %multiple_of3A, %dma_start3A_12] : memref<16x512x512xf32, #tpu.memory_space<hbm>> -> memref<1x32x512xf32, #tpu.memory_space<hbm>>
    %dma_start3A_14 = tpu.memref_squeeze %dma_start3A_13 : memref<1x32x512xf32, #tpu.memory_space<hbm>> -> memref<32x512xf32, #tpu.memory_space<hbm>>
    %dma_start3A_15 = arith.constant 0 : i32
    %dma_start3A_16 = tpu.memref_slice %arg3[%shift_right_arithmetic3A_5, %multiple_of3A, %dma_start3A_15] : memref<16x512x512xf32, #tpu.memory_space<hbm>> -> memref<1x32x512xf32, #tpu.memory_space<hbm>>
    %dma_start3A_17 = tpu.memref_squeeze %dma_start3A_16 : memref<1x32x512xf32, #tpu.memory_space<hbm>> -> memref<32x512xf32, #tpu.memory_space<hbm>>
    tpu.enqueue_dma source(%dma_start3A_17 : memref<32x512xf32, #tpu.memory_space<hbm>>) target(%arg9 : memref<32x512xf32, #tpu.memory_space<vmem>>) target_semaphore(%arg15 : memref<!tpu.dma_semaphore, #tpu.memory_space<semaphore_mem>>)
    %dma_start3A_18 = arith.constant 0 : i32
    %dma_start3A_19 = tpu.memref_slice %arg4[%shift_right_arithmetic3A_5, %multiple_of3A, %dma_start3A_18] : memref<16x512x512xi8, #tpu.memory_space<hbm>> -> memref<1x32x512xi8, #tpu.memory_space<hbm>>
    %dma_start3A_20 = tpu.memref_squeeze %dma_start3A_19 : memref<1x32x512xi8, #tpu.memory_space<hbm>> -> memref<32x512xi8, #tpu.memory_space<hbm>>
    %dma_start3A_21 = arith.constant 0 : i32
    %dma_start3A_22 = tpu.memref_slice %arg4[%shift_right_arithmetic3A_5, %multiple_of3A, %dma_start3A_21] : memref<16x512x512xi8, #tpu.memory_space<hbm>> -> memref<1x32x512xi8, #tpu.memory_space<hbm>>
    %dma_start3A_23 = tpu.memref_squeeze %dma_start3A_22 : memref<1x32x512xi8, #tpu.memory_space<hbm>> -> memref<32x512xi8, #tpu.memory_space<hbm>>
    tpu.enqueue_dma source(%dma_start3A_23 : memref<32x512xi8, #tpu.memory_space<hbm>>) target(%arg11 : memref<32x512xi8, #tpu.memory_space<vmem>>) target_semaphore(%arg15 : memref<!tpu.dma_semaphore, #tpu.memory_space<semaphore_mem>>)
    %iota3A = tpu.iota {dimensions = array<i32: 0>} : vector<16xi32>
    %mul3A_24 = arith.constant 4 : i32
    %mul3A_25 = vector.broadcast %mul3A_24 : i32 to vector<16xi32>
    %mul3A_26 = arith.muli %iota3A, %mul3A_25 : vector<16xi32>
    tpu.wait_dma2 semaphore(%arg17 : memref<!tpu.dma_semaphore, #tpu.memory_space<semaphore_mem>>) src(%arg5 : memref<8x16xf32, #tpu.memory_space<hbm>>) dst(%arg13 : memref<8x16xf32, #tpu.memory_space<vmem>>)
    %get3A = arith.constant 0 : i32
    %get3A_27 = arith.index_cast %get3A : i32 to index
    %get3A_28 = arith.constant 0 : index
    %get3A_29 = tpu.vector_load %arg13[%get3A_27, %get3A_28] {strides = array<i32>} : memref<8x16xf32, #tpu.memory_space<vmem>>, vector<16xf32>,
    %get3A_30 = arith.constant 1 : i32
    %get3A_31 = arith.index_cast %get3A_30 : i32 to index
    %get3A_32 = arith.constant 0 : index
    %get3A_33 = tpu.vector_load %arg13[%get3A_31, %get3A_32] {strides = array<i32>} : memref<8x16xf32, #tpu.memory_space<vmem>>, vector<16xf32>,
    %get3A_34 = arith.constant 2 : i32
    %get3A_35 = arith.index_cast %get3A_34 : i32 to index
    %get3A_36 = arith.constant 0 : index
    %get3A_37 = tpu.vector_load %arg13[%get3A_35, %get3A_36] {strides = array<i32>} : memref<8x16xf32, #tpu.memory_space<vmem>>, vector<16xf32>,
    %get3A_38 = arith.constant 3 : i32
    %get3A_39 = arith.index_cast %get3A_38 : i32 to index
    %get3A_40 = arith.constant 0 : index
    %get3A_41 = tpu.vector_load %arg13[%get3A_39, %get3A_40] {strides = array<i32>} : memref<8x16xf32, #tpu.memory_space<vmem>>, vector<16xf32>,
    %broadcast_in_dim3A = arith.constant 0.000000e+00 : f32
    %broadcast_in_dim3A_42 = vector.broadcast %broadcast_in_dim3A : f32 to vector<16xf32>
    %broadcast_in_dim3A_43 = arith.constant 0.000000e+00 : f32
    %broadcast_in_dim3A_44 = vector.broadcast %broadcast_in_dim3A_43 : f32 to vector<16xf32>
    %broadcast_in_dim3A_45 = arith.constant 0.000000e+00 : f32
    %broadcast_in_dim3A_46 = vector.broadcast %broadcast_in_dim3A_45 : f32 to vector<16xf32>
    %mul3A_47 = arith.constant 96 : i32
    %mul3A_48 = arith.muli %add3A, %mul3A_47 : i32
    %add3A_49 = arith.constant 32 : i32
    %add3A_50 = arith.addi %mul3A_48, %add3A_49 : i32
    %shift_right_arithmetic3A_51 = arith.constant 9 : i32
    %shift_right_arithmetic3A_52 = arith.shrsi %add3A_50, %shift_right_arithmetic3A_51 : i32
    %and3A_53 = arith.constant 511 : i32
    %and3A_54 = arith.andi %add3A_50, %and3A_53 : i32
    %multiple_of3A_55 = tpu.assume_multiple %and3A_54, 32 : i32
    %dma_start3A_56 = arith.constant 0 : i32
    %dma_start3A_57 = tpu.memref_slice %arg2[%shift_right_arithmetic3A_52, %multiple_of3A_55, %dma_start3A_56] : memref<16x512x512xf32, #tpu.memory_space<hbm>> -> memref<1x32x512xf32, #tpu.memory_space<hbm>>
    %dma_start3A_58 = tpu.memref_squeeze %dma_start3A_57 : memref<1x32x512xf32, #tpu.memory_space<hbm>> -> memref<32x512xf32, #tpu.memory_space<hbm>>
    %dma_start3A_59 = arith.constant 0 : i32
    %dma_start3A_60 = tpu.memref_slice %arg2[%shift_right_arithmetic3A_52, %multiple_of3A_55, %dma_start3A_59] : memref<16x512x512xf32, #tpu.memory_space<hbm>> -> memref<1x32x512xf32, #tpu.memory_space<hbm>>
    %dma_start3A_61 = tpu.memref_squeeze %dma_start3A_60 : memref<1x32x512xf32, #tpu.memory_space<hbm>> -> memref<32x512xf32, #tpu.memory_space<hbm>>
    tpu.enqueue_dma source(%dma_start3A_61 : memref<32x512xf32, #tpu.memory_space<hbm>>) target(%arg8 : memref<32x512xf32, #tpu.memory_space<vmem>>) target_semaphore(%arg16 : memref<!tpu.dma_semaphore, #tpu.memory_space<semaphore_mem>>)
    %dma_start3A_62 = arith.constant 0 : i32
    %dma_start3A_63 = tpu.memref_slice %arg3[%shift_right_arithmetic3A_52, %multiple_of3A_55, %dma_start3A_62] : memref<16x512x512xf32, #tpu.memory_space<hbm>> -> memref<1x32x512xf32, #tpu.memory_space<hbm>>
    %dma_start3A_64 = tpu.memref_squeeze %dma_start3A_63 : memref<1x32x512xf32, #tpu.memory_space<hbm>> -> memref<32x512xf32, #tpu.memory_space<hbm>>
    %dma_start3A_65 = arith.constant 0 : i32
    %dma_start3A_66 = tpu.memref_slice %arg3[%shift_right_arithmetic3A_52, %multiple_of3A_55, %dma_start3A_65] : memref<16x512x512xf32, #tpu.memory_space<hbm>> -> memref<1x32x512xf32, #tpu.memory_space<hbm>>
    %dma_start3A_67 = tpu.memref_squeeze %dma_start3A_66 : memref<1x32x512xf32, #tpu.memory_space<hbm>> -> memref<32x512xf32, #tpu.memory_space<hbm>>
    tpu.enqueue_dma source(%dma_start3A_67 : memref<32x512xf32, #tpu.memory_space<hbm>>) target(%arg10 : memref<32x512xf32, #tpu.memory_space<vmem>>) target_semaphore(%arg16 : memref<!tpu.dma_semaphore, #tpu.memory_space<semaphore_mem>>)
    %dma_start3A_68 = arith.constant 0 : i32
    %dma_start3A_69 = tpu.memref_slice %arg4[%shift_right_arithmetic3A_52, %multiple_of3A_55, %dma_start3A_68] : memref<16x512x512xi8, #tpu.memory_space<hbm>> -> memref<1x32x512xi8, #tpu.memory_space<hbm>>
    %dma_start3A_70 = tpu.memref_squeeze %dma_start3A_69 : memref<1x32x512xi8, #tpu.memory_space<hbm>> -> memref<32x512xi8, #tpu.memory_space<hbm>>
    %dma_start3A_71 = arith.constant 0 : i32
    %dma_start3A_72 = tpu.memref_slice %arg4[%shift_right_arithmetic3A_52, %multiple_of3A_55, %dma_start3A_71] : memref<16x512x512xi8, #tpu.memory_space<hbm>> -> memref<1x32x512xi8, #tpu.memory_space<hbm>>
    %dma_start3A_73 = tpu.memref_squeeze %dma_start3A_72 : memref<1x32x512xi8, #tpu.memory_space<hbm>> -> memref<32x512xi8, #tpu.memory_space<hbm>>
    tpu.enqueue_dma source(%dma_start3A_73 : memref<32x512xi8, #tpu.memory_space<hbm>>) target(%arg12 : memref<32x512xi8, #tpu.memory_space<vmem>>) target_semaphore(%arg16 : memref<!tpu.dma_semaphore, #tpu.memory_space<semaphore_mem>>)
    %dma_wait3A = arith.constant 0 : i32
    %dma_wait3A_74 = tpu.memref_slice %arg2[%shift_right_arithmetic3A_5, %multiple_of3A, %dma_wait3A] : memref<16x512x512xf32, #tpu.memory_space<hbm>> -> memref<1x32x512xf32, #tpu.memory_space<hbm>>
    %dma_wait3A_75 = tpu.memref_squeeze %dma_wait3A_74 : memref<1x32x512xf32, #tpu.memory_space<hbm>> -> memref<32x512xf32, #tpu.memory_space<hbm>>
    %dma_wait3A_76 = arith.constant 0 : i32
    %dma_wait3A_77 = tpu.memref_slice %arg2[%shift_right_arithmetic3A_5, %multiple_of3A, %dma_wait3A_76] : memref<16x512x512xf32, #tpu.memory_space<hbm>> -> memref<1x32x512xf32, #tpu.memory_space<hbm>>
    %dma_wait3A_78 = tpu.memref_squeeze %dma_wait3A_77 : memref<1x32x512xf32, #tpu.memory_space<hbm>> -> memref<32x512xf32, #tpu.memory_space<hbm>>
    tpu.wait_dma2 semaphore(%arg15 : memref<!tpu.dma_semaphore, #tpu.memory_space<semaphore_mem>>) src(%dma_wait3A_78 : memref<32x512xf32, #tpu.memory_space<hbm>>) dst(%arg7 : memref<32x512xf32, #tpu.memory_space<vmem>>)
    %dma_wait3A_79 = arith.constant 0 : i32
    %dma_wait3A_80 = tpu.memref_slice %arg3[%shift_right_arithmetic3A_5, %multiple_of3A, %dma_wait3A_79] : memref<16x512x512xf32, #tpu.memory_space<hbm>> -> memref<1x32x512xf32, #tpu.memory_space<hbm>>
    %dma_wait3A_81 = tpu.memref_squeeze %dma_wait3A_80 : memref<1x32x512xf32, #tpu.memory_space<hbm>> -> memref<32x512xf32, #tpu.memory_space<hbm>>
    %dma_wait3A_82 = arith.constant 0 : i32
    %dma_wait3A_83 = tpu.memref_slice %arg3[%shift_right_arithmetic3A_5, %multiple_of3A, %dma_wait3A_82] : memref<16x512x512xf32, #tpu.memory_space<hbm>> -> memref<1x32x512xf32, #tpu.memory_space<hbm>>
    %dma_wait3A_84 = tpu.memref_squeeze %dma_wait3A_83 : memref<1x32x512xf32, #tpu.memory_space<hbm>> -> memref<32x512xf32, #tpu.memory_space<hbm>>
    tpu.wait_dma2 semaphore(%arg15 : memref<!tpu.dma_semaphore, #tpu.memory_space<semaphore_mem>>) src(%dma_wait3A_84 : memref<32x512xf32, #tpu.memory_space<hbm>>) dst(%arg9 : memref<32x512xf32, #tpu.memory_space<vmem>>)
    %dma_wait3A_85 = arith.constant 0 : i32
    %dma_wait3A_86 = tpu.memref_slice %arg4[%shift_right_arithmetic3A_5, %multiple_of3A, %dma_wait3A_85] : memref<16x512x512xi8, #tpu.memory_space<hbm>> -> memref<1x32x512xi8, #tpu.memory_space<hbm>>
    %dma_wait3A_87 = tpu.memref_squeeze %dma_wait3A_86 : memref<1x32x512xi8, #tpu.memory_space<hbm>> -> memref<32x512xi8, #tpu.memory_space<hbm>>
    %dma_wait3A_88 = arith.constant 0 : i32
    %dma_wait3A_89 = tpu.memref_slice %arg4[%shift_right_arithmetic3A_5, %multiple_of3A, %dma_wait3A_88] : memref<16x512x512xi8, #tpu.memory_space<hbm>> -> memref<1x32x512xi8, #tpu.memory_space<hbm>>
    %dma_wait3A_90 = tpu.memref_squeeze %dma_wait3A_89 : memref<1x32x512xi8, #tpu.memory_space<hbm>> -> memref<32x512xi8, #tpu.memory_space<hbm>>
    tpu.wait_dma2 semaphore(%arg15 : memref<!tpu.dma_semaphore, #tpu.memory_space<semaphore_mem>>) src(%dma_wait3A_90 : memref<32x512xi8, #tpu.memory_space<hbm>>) dst(%arg11 : memref<32x512xi8, #tpu.memory_space<vmem>>)
    %scan3A = arith.constant 0 : i32
    %scan3A_91 = arith.constant 256 : i32
    %scan3A_92 = arith.addi %scan3A, %scan3A_91 : i32
    %scan3A_93 = arith.constant 1 : i32
    %scan3A_94:3 = scf.for %scan3A_188 = %scan3A to %scan3A_92 step %scan3A_93 iter_args(%scan3A_189 = %broadcast_in_dim3A_42, %scan3A_190 = %broadcast_in_dim3A_44, %scan3A_191 = %broadcast_in_dim3A_46) -> (vector<16xf32>, vector<16xf32>, vector<16xf32>)  : i32 {
      %shift_right_arithmetic3A_192 = arith.constant 3 : i32
      %shift_right_arithmetic3A_193 = arith.shrsi %scan3A_188, %shift_right_arithmetic3A_192 : i32
      %and3A_194 = arith.constant 7 : i32
      %and3A_195 = arith.andi %scan3A_188, %and3A_194 : i32
      %broadcast_in_dim3A_196 = vector.broadcast %shift_right_arithmetic3A_193 : i32 to vector<16xi32>
      %mul3A_197 = arith.constant 64 : i32
      %mul3A_198 = arith.muli %and3A_195, %mul3A_197 : i32
      %get3A_199 = arith.index_cast %shift_right_arithmetic3A_193 : i32 to index
      %get3A_200 = arith.index_cast %mul3A_198 : i32 to index
      %get3A_201 = tpu.vector_load %arg11[%get3A_199, %get3A_200] {strides = array<i32>} : memref<32x512xi8, #tpu.memory_space<vmem>>, vector<64xi8>,
      %bitcast3A = vector.bitcast %get3A_201 : vector<64xi8> to vector<16xi32>
      %mul3A_202 = arith.constant 64 : i32
      %mul3A_203 = arith.muli %and3A_195, %mul3A_202 : i32
      %add3A_204 = vector.broadcast %mul3A_203 : i32 to vector<16xi32>
      %add3A_205 = arith.addi %add3A_204, %mul3A_26 : vector<16xi32>
      %shift_right_arithmetic3A_206 = arith.constant 0 : i32
      %shift_right_arithmetic3A_207 = vector.broadcast %shift_right_arithmetic3A_206 : i32 to vector<16xi32>
      %shift_right_arithmetic3A_208 = arith.shrsi %bitcast3A, %shift_right_arithmetic3A_207 : vector<16xi32>
      %and3A_209 = arith.constant 1 : i32
      %and3A_210 = vector.broadcast %and3A_209 : i32 to vector<16xi32>
      %and3A_211 = arith.andi %shift_right_arithmetic3A_208, %and3A_210 : vector<16xi32>
      %convert_element_type3A = arith.sitofp %and3A_211 : vector<16xi32> to vector<16xf32>
      %add3A_212 = arith.constant 0 : i32
      %add3A_213 = vector.broadcast %add3A_212 : i32 to vector<16xi32>
      %add3A_214 = arith.addi %add3A_205, %add3A_213 : vector<16xi32>
      %gather3A = tpu.vector_load_idx %arg7[%broadcast_in_dim3A_196, %add3A_214] : memref<32x512xf32, #tpu.memory_space<vmem>>[vector<16xi32>, vector<16xi32>], vector<16xf32>,
      %gather3A_215 = tpu.vector_load_idx %arg9[%broadcast_in_dim3A_196, %add3A_214] : memref<32x512xf32, #tpu.memory_space<vmem>>[vector<16xi32>, vector<16xi32>], vector<16xf32>,
      %add3A_216 = arith.addf %gather3A_215, %get3A_41 : vector<16xf32>
      %mul3A_217 = arith.mulf %gather3A, %get3A_29 : vector<16xf32>
      %add3A_218 = arith.addf %mul3A_217, %get3A_33 : vector<16xf32>
      %mul3A_219 = arith.mulf %gather3A_215, %get3A_37 : vector<16xf32>
      %add3A_220 = arith.addf %add3A_218, %mul3A_219 : vector<16xf32>
      %div3A = arith.divf %add3A_220, %add3A_216 : vector<16xf32>
      %mul3A_221 = arith.mulf %convert_element_type3A, %div3A : vector<16xf32>
      %add3A_222 = arith.addf %scan3A_189, %convert_element_type3A : vector<16xf32>
      %add3A_223 = arith.addf %scan3A_190, %mul3A_221 : vector<16xf32>
      %mul3A_224 = arith.mulf %mul3A_221, %div3A : vector<16xf32>
      %add3A_225 = arith.addf %scan3A_191, %mul3A_224 : vector<16xf32>
      %shift_right_arithmetic3A_226 = arith.constant 8 : i32
      %shift_right_arithmetic3A_227 = vector.broadcast %shift_right_arithmetic3A_226 : i32 to vector<16xi32>
      %shift_right_arithmetic3A_228 = arith.shrsi %bitcast3A, %shift_right_arithmetic3A_227 : vector<16xi32>
      %and3A_229 = arith.constant 1 : i32
      %and3A_230 = vector.broadcast %and3A_229 : i32 to vector<16xi32>
      %and3A_231 = arith.andi %shift_right_arithmetic3A_228, %and3A_230 : vector<16xi32>
      %convert_element_type3A_232 = arith.sitofp %and3A_231 : vector<16xi32> to vector<16xf32>
      %add3A_233 = arith.constant 1 : i32
      %add3A_234 = vector.broadcast %add3A_233 : i32 to vector<16xi32>
      %add3A_235 = arith.addi %add3A_205, %add3A_234 : vector<16xi32>
      %gather3A_236 = tpu.vector_load_idx %arg7[%broadcast_in_dim3A_196, %add3A_235] : memref<32x512xf32, #tpu.memory_space<vmem>>[vector<16xi32>, vector<16xi32>], vector<16xf32>,
      %gather3A_237 = tpu.vector_load_idx %arg9[%broadcast_in_dim3A_196, %add3A_235] : memref<32x512xf32, #tpu.memory_space<vmem>>[vector<16xi32>, vector<16xi32>], vector<16xf32>,
      %add3A_238 = arith.addf %gather3A_237, %get3A_41 : vector<16xf32>
      %mul3A_239 = arith.mulf %gather3A_236, %get3A_29 : vector<16xf32>
      %add3A_240 = arith.addf %mul3A_239, %get3A_33 : vector<16xf32>
      %mul3A_241 = arith.mulf %gather3A_237, %get3A_37 : vector<16xf32>
      %add3A_242 = arith.addf %add3A_240, %mul3A_241 : vector<16xf32>
      %div3A_243 = arith.divf %add3A_242, %add3A_238 : vector<16xf32>
      %mul3A_244 = arith.mulf %convert_element_type3A_232, %div3A_243 : vector<16xf32>
      %add3A_245 = arith.addf %add3A_222, %convert_element_type3A_232 : vector<16xf32>
      %add3A_246 = arith.addf %add3A_223, %mul3A_244 : vector<16xf32>
      %mul3A_247 = arith.mulf %mul3A_244, %div3A_243 : vector<16xf32>
      %add3A_248 = arith.addf %add3A_225, %mul3A_247 : vector<16xf32>
      %shift_right_arithmetic3A_249 = arith.constant 16 : i32
      %shift_right_arithmetic3A_250 = vector.broadcast %shift_right_arithmetic3A_249 : i32 to vector<16xi32>
      %shift_right_arithmetic3A_251 = arith.shrsi %bitcast3A, %shift_right_arithmetic3A_250 : vector<16xi32>
      %and3A_252 = arith.constant 1 : i32
      %and3A_253 = vector.broadcast %and3A_252 : i32 to vector<16xi32>
      %and3A_254 = arith.andi %shift_right_arithmetic3A_251, %and3A_253 : vector<16xi32>
      %convert_element_type3A_255 = arith.sitofp %and3A_254 : vector<16xi32> to vector<16xf32>
      %add3A_256 = arith.constant 2 : i32
      %add3A_257 = vector.broadcast %add3A_256 : i32 to vector<16xi32>
      %add3A_258 = arith.addi %add3A_205, %add3A_257 : vector<16xi32>
      %gather3A_259 = tpu.vector_load_idx %arg7[%broadcast_in_dim3A_196, %add3A_258] : memref<32x512xf32, #tpu.memory_space<vmem>>[vector<16xi32>, vector<16xi32>], vector<16xf32>,
      %gather3A_260 = tpu.vector_load_idx %arg9[%broadcast_in_dim3A_196, %add3A_258] : memref<32x512xf32, #tpu.memory_space<vmem>>[vector<16xi32>, vector<16xi32>], vector<16xf32>,
      %add3A_261 = arith.addf %gather3A_260, %get3A_41 : vector<16xf32>
      %mul3A_262 = arith.mulf %gather3A_259, %get3A_29 : vector<16xf32>
      %add3A_263 = arith.addf %mul3A_262, %get3A_33 : vector<16xf32>
      %mul3A_264 = arith.mulf %gather3A_260, %get3A_37 : vector<16xf32>
      %add3A_265 = arith.addf %add3A_263, %mul3A_264 : vector<16xf32>
      %div3A_266 = arith.divf %add3A_265, %add3A_261 : vector<16xf32>
      %mul3A_267 = arith.mulf %convert_element_type3A_255, %div3A_266 : vector<16xf32>
      %add3A_268 = arith.addf %add3A_245, %convert_element_type3A_255 : vector<16xf32>
      %add3A_269 = arith.addf %add3A_246, %mul3A_267 : vector<16xf32>
      %mul3A_270 = arith.mulf %mul3A_267, %div3A_266 : vector<16xf32>
      %add3A_271 = arith.addf %add3A_248, %mul3A_270 : vector<16xf32>
      %shift_right_arithmetic3A_272 = arith.constant 24 : i32
      %shift_right_arithmetic3A_273 = vector.broadcast %shift_right_arithmetic3A_272 : i32 to vector<16xi32>
      %shift_right_arithmetic3A_274 = arith.shrsi %bitcast3A, %shift_right_arithmetic3A_273 : vector<16xi32>
      %and3A_275 = arith.constant 1 : i32
      %and3A_276 = vector.broadcast %and3A_275 : i32 to vector<16xi32>
      %and3A_277 = arith.andi %shift_right_arithmetic3A_274, %and3A_276 : vector<16xi32>
      %convert_element_type3A_278 = arith.sitofp %and3A_277 : vector<16xi32> to vector<16xf32>
      %add3A_279 = arith.constant 3 : i32
      %add3A_280 = vector.broadcast %add3A_279 : i32 to vector<16xi32>
      %add3A_281 = arith.addi %add3A_205, %add3A_280 : vector<16xi32>
      %gather3A_282 = tpu.vector_load_idx %arg7[%broadcast_in_dim3A_196, %add3A_281] : memref<32x512xf32, #tpu.memory_space<vmem>>[vector<16xi32>, vector<16xi32>], vector<16xf32>,
      %gather3A_283 = tpu.vector_load_idx %arg9[%broadcast_in_dim3A_196, %add3A_281] : memref<32x512xf32, #tpu.memory_space<vmem>>[vector<16xi32>, vector<16xi32>], vector<16xf32>,
      %add3A_284 = arith.addf %gather3A_283, %get3A_41 : vector<16xf32>
      %mul3A_285 = arith.mulf %gather3A_282, %get3A_29 : vector<16xf32>
      %add3A_286 = arith.addf %mul3A_285, %get3A_33 : vector<16xf32>
      %mul3A_287 = arith.mulf %gather3A_283, %get3A_37 : vector<16xf32>
      %add3A_288 = arith.addf %add3A_286, %mul3A_287 : vector<16xf32>
      %div3A_289 = arith.divf %add3A_288, %add3A_284 : vector<16xf32>
      %mul3A_290 = arith.mulf %convert_element_type3A_278, %div3A_289 : vector<16xf32>
      %add3A_291 = arith.addf %add3A_268, %convert_element_type3A_278 : vector<16xf32>
      %add3A_292 = arith.addf %add3A_269, %mul3A_290 : vector<16xf32>
      %mul3A_293 = arith.mulf %mul3A_290, %div3A_289 : vector<16xf32>
      %add3A_294 = arith.addf %add3A_271, %mul3A_293 : vector<16xf32>
      scf.yield %add3A_291, %add3A_292, %add3A_294 : vector<16xf32>, vector<16xf32>, vector<16xf32>
    }
    %scan3A_95 = arith.constant 256 : i32
    %mul3A_96 = arith.constant 96 : i32
    %mul3A_97 = arith.muli %add3A, %mul3A_96 : i32
    %add3A_98 = arith.constant 64 : i32
    %add3A_99 = arith.addi %mul3A_97, %add3A_98 : i32
    %shift_right_arithmetic3A_100 = arith.constant 9 : i32
    %shift_right_arithmetic3A_101 = arith.shrsi %add3A_99, %shift_right_arithmetic3A_100 : i32
    %and3A_102 = arith.constant 511 : i32
    %and3A_103 = arith.andi %add3A_99, %and3A_102 : i32
    %multiple_of3A_104 = tpu.assume_multiple %and3A_103, 32 : i32
    %dma_start3A_105 = arith.constant 0 : i32
    %dma_start3A_106 = tpu.memref_slice %arg2[%shift_right_arithmetic3A_101, %multiple_of3A_104, %dma_start3A_105] : memref<16x512x512xf32, #tpu.memory_space<hbm>> -> memref<1x32x512xf32, #tpu.memory_space<hbm>>
    %dma_start3A_107 = tpu.memref_squeeze %dma_start3A_106 : memref<1x32x512xf32, #tpu.memory_space<hbm>> -> memref<32x512xf32, #tpu.memory_space<hbm>>
    %dma_start3A_108 = arith.constant 0 : i32
    %dma_start3A_109 = tpu.memref_slice %arg2[%shift_right_arithmetic3A_101, %multiple_of3A_104, %dma_start3A_108] : memref<16x512x512xf32, #tpu.memory_space<hbm>> -> memref<1x32x512xf32, #tpu.memory_space<hbm>>
    %dma_start3A_110 = tpu.memref_squeeze %dma_start3A_109 : memref<1x32x512xf32, #tpu.memory_space<hbm>> -> memref<32x512xf32, #tpu.memory_space<hbm>>
    tpu.enqueue_dma source(%dma_start3A_110 : memref<32x512xf32, #tpu.memory_space<hbm>>) target(%arg7 : memref<32x512xf32, #tpu.memory_space<vmem>>) target_semaphore(%arg15 : memref<!tpu.dma_semaphore, #tpu.memory_space<semaphore_mem>>)
    %dma_start3A_111 = arith.constant 0 : i32
    %dma_start3A_112 = tpu.memref_slice %arg3[%shift_right_arithmetic3A_101, %multiple_of3A_104, %dma_start3A_111] : memref<16x512x512xf32, #tpu.memory_space<hbm>> -> memref<1x32x512xf32, #tpu.memory_space<hbm>>
    %dma_start3A_113 = tpu.memref_squeeze %dma_start3A_112 : memref<1x32x512xf32, #tpu.memory_space<hbm>> -> memref<32x512xf32, #tpu.memory_space<hbm>>
    %dma_start3A_114 = arith.constant 0 : i32
    %dma_start3A_115 = tpu.memref_slice %arg3[%shift_right_arithmetic3A_101, %multiple_of3A_104, %dma_start3A_114] : memref<16x512x512xf32, #tpu.memory_space<hbm>> -> memref<1x32x512xf32, #tpu.memory_space<hbm>>
    %dma_start3A_116 = tpu.memref_squeeze %dma_start3A_115 : memref<1x32x512xf32, #tpu.memory_space<hbm>> -> memref<32x512xf32, #tpu.memory_space<hbm>>
    tpu.enqueue_dma source(%dma_start3A_116 : memref<32x512xf32, #tpu.memory_space<hbm>>) target(%arg9 : memref<32x512xf32, #tpu.memory_space<vmem>>) target_semaphore(%arg15 : memref<!tpu.dma_semaphore, #tpu.memory_space<semaphore_mem>>)
    %dma_start3A_117 = arith.constant 0 : i32
    %dma_start3A_118 = tpu.memref_slice %arg4[%shift_right_arithmetic3A_101, %multiple_of3A_104, %dma_start3A_117] : memref<16x512x512xi8, #tpu.memory_space<hbm>> -> memref<1x32x512xi8, #tpu.memory_space<hbm>>
    %dma_start3A_119 = tpu.memref_squeeze %dma_start3A_118 : memref<1x32x512xi8, #tpu.memory_space<hbm>> -> memref<32x512xi8, #tpu.memory_space<hbm>>
    %dma_start3A_120 = arith.constant 0 : i32
    %dma_start3A_121 = tpu.memref_slice %arg4[%shift_right_arithmetic3A_101, %multiple_of3A_104, %dma_start3A_120] : memref<16x512x512xi8, #tpu.memory_space<hbm>> -> memref<1x32x512xi8, #tpu.memory_space<hbm>>
    %dma_start3A_122 = tpu.memref_squeeze %dma_start3A_121 : memref<1x32x512xi8, #tpu.memory_space<hbm>> -> memref<32x512xi8, #tpu.memory_space<hbm>>
    tpu.enqueue_dma source(%dma_start3A_122 : memref<32x512xi8, #tpu.memory_space<hbm>>) target(%arg11 : memref<32x512xi8, #tpu.memory_space<vmem>>) target_semaphore(%arg15 : memref<!tpu.dma_semaphore, #tpu.memory_space<semaphore_mem>>)
    %dma_wait3A_123 = arith.constant 0 : i32
    %dma_wait3A_124 = tpu.memref_slice %arg2[%shift_right_arithmetic3A_52, %multiple_of3A_55, %dma_wait3A_123] : memref<16x512x512xf32, #tpu.memory_space<hbm>> -> memref<1x32x512xf32, #tpu.memory_space<hbm>>
    %dma_wait3A_125 = tpu.memref_squeeze %dma_wait3A_124 : memref<1x32x512xf32, #tpu.memory_space<hbm>> -> memref<32x512xf32, #tpu.memory_space<hbm>>
    %dma_wait3A_126 = arith.constant 0 : i32
    %dma_wait3A_127 = tpu.memref_slice %arg2[%shift_right_arithmetic3A_52, %multiple_of3A_55, %dma_wait3A_126] : memref<16x512x512xf32, #tpu.memory_space<hbm>> -> memref<1x32x512xf32, #tpu.memory_space<hbm>>
    %dma_wait3A_128 = tpu.memref_squeeze %dma_wait3A_127 : memref<1x32x512xf32, #tpu.memory_space<hbm>> -> memref<32x512xf32, #tpu.memory_space<hbm>>
    tpu.wait_dma2 semaphore(%arg16 : memref<!tpu.dma_semaphore, #tpu.memory_space<semaphore_mem>>) src(%dma_wait3A_128 : memref<32x512xf32, #tpu.memory_space<hbm>>) dst(%arg8 : memref<32x512xf32, #tpu.memory_space<vmem>>)
    %dma_wait3A_129 = arith.constant 0 : i32
    %dma_wait3A_130 = tpu.memref_slice %arg3[%shift_right_arithmetic3A_52, %multiple_of3A_55, %dma_wait3A_129] : memref<16x512x512xf32, #tpu.memory_space<hbm>> -> memref<1x32x512xf32, #tpu.memory_space<hbm>>
    %dma_wait3A_131 = tpu.memref_squeeze %dma_wait3A_130 : memref<1x32x512xf32, #tpu.memory_space<hbm>> -> memref<32x512xf32, #tpu.memory_space<hbm>>
    %dma_wait3A_132 = arith.constant 0 : i32
    %dma_wait3A_133 = tpu.memref_slice %arg3[%shift_right_arithmetic3A_52, %multiple_of3A_55, %dma_wait3A_132] : memref<16x512x512xf32, #tpu.memory_space<hbm>> -> memref<1x32x512xf32, #tpu.memory_space<hbm>>
    %dma_wait3A_134 = tpu.memref_squeeze %dma_wait3A_133 : memref<1x32x512xf32, #tpu.memory_space<hbm>> -> memref<32x512xf32, #tpu.memory_space<hbm>>
    tpu.wait_dma2 semaphore(%arg16 : memref<!tpu.dma_semaphore, #tpu.memory_space<semaphore_mem>>) src(%dma_wait3A_134 : memref<32x512xf32, #tpu.memory_space<hbm>>) dst(%arg10 : memref<32x512xf32, #tpu.memory_space<vmem>>)
    %dma_wait3A_135 = arith.constant 0 : i32
    %dma_wait3A_136 = tpu.memref_slice %arg4[%shift_right_arithmetic3A_52, %multiple_of3A_55, %dma_wait3A_135] : memref<16x512x512xi8, #tpu.memory_space<hbm>> -> memref<1x32x512xi8, #tpu.memory_space<hbm>>
    %dma_wait3A_137 = tpu.memref_squeeze %dma_wait3A_136 : memref<1x32x512xi8, #tpu.memory_space<hbm>> -> memref<32x512xi8, #tpu.memory_space<hbm>>
    %dma_wait3A_138 = arith.constant 0 : i32
    %dma_wait3A_139 = tpu.memref_slice %arg4[%shift_right_arithmetic3A_52, %multiple_of3A_55, %dma_wait3A_138] : memref<16x512x512xi8, #tpu.memory_space<hbm>> -> memref<1x32x512xi8, #tpu.memory_space<hbm>>
    %dma_wait3A_140 = tpu.memref_squeeze %dma_wait3A_139 : memref<1x32x512xi8, #tpu.memory_space<hbm>> -> memref<32x512xi8, #tpu.memory_space<hbm>>
    tpu.wait_dma2 semaphore(%arg16 : memref<!tpu.dma_semaphore, #tpu.memory_space<semaphore_mem>>) src(%dma_wait3A_140 : memref<32x512xi8, #tpu.memory_space<hbm>>) dst(%arg12 : memref<32x512xi8, #tpu.memory_space<vmem>>)
    %scan3A_141 = arith.constant 0 : i32
    %scan3A_142 = arith.constant 256 : i32
    %scan3A_143 = arith.addi %scan3A_141, %scan3A_142 : i32
    %scan3A_144 = arith.constant 1 : i32
    %scan3A_145:3 = scf.for %scan3A_188 = %scan3A_141 to %scan3A_143 step %scan3A_144 iter_args(%scan3A_189 = %scan3A_94#0, %scan3A_190 = %scan3A_94#1, %scan3A_191 = %scan3A_94#2) -> (vector<16xf32>, vector<16xf32>, vector<16xf32>)  : i32 {
      %shift_right_arithmetic3A_192 = arith.constant 3 : i32
      %shift_right_arithmetic3A_193 = arith.shrsi %scan3A_188, %shift_right_arithmetic3A_192 : i32
      %and3A_194 = arith.constant 7 : i32
      %and3A_195 = arith.andi %scan3A_188, %and3A_194 : i32
      %broadcast_in_dim3A_196 = vector.broadcast %shift_right_arithmetic3A_193 : i32 to vector<16xi32>
      %mul3A_197 = arith.constant 64 : i32
      %mul3A_198 = arith.muli %and3A_195, %mul3A_197 : i32
      %get3A_199 = arith.index_cast %shift_right_arithmetic3A_193 : i32 to index
      %get3A_200 = arith.index_cast %mul3A_198 : i32 to index
      %get3A_201 = tpu.vector_load %arg12[%get3A_199, %get3A_200] {strides = array<i32>} : memref<32x512xi8, #tpu.memory_space<vmem>>, vector<64xi8>,
      %bitcast3A = vector.bitcast %get3A_201 : vector<64xi8> to vector<16xi32>
      %mul3A_202 = arith.constant 64 : i32
      %mul3A_203 = arith.muli %and3A_195, %mul3A_202 : i32
      %add3A_204 = vector.broadcast %mul3A_203 : i32 to vector<16xi32>
      %add3A_205 = arith.addi %add3A_204, %mul3A_26 : vector<16xi32>
      %shift_right_arithmetic3A_206 = arith.constant 0 : i32
      %shift_right_arithmetic3A_207 = vector.broadcast %shift_right_arithmetic3A_206 : i32 to vector<16xi32>
      %shift_right_arithmetic3A_208 = arith.shrsi %bitcast3A, %shift_right_arithmetic3A_207 : vector<16xi32>
      %and3A_209 = arith.constant 1 : i32
      %and3A_210 = vector.broadcast %and3A_209 : i32 to vector<16xi32>
      %and3A_211 = arith.andi %shift_right_arithmetic3A_208, %and3A_210 : vector<16xi32>
      %convert_element_type3A = arith.sitofp %and3A_211 : vector<16xi32> to vector<16xf32>
      %add3A_212 = arith.constant 0 : i32
      %add3A_213 = vector.broadcast %add3A_212 : i32 to vector<16xi32>
      %add3A_214 = arith.addi %add3A_205, %add3A_213 : vector<16xi32>
      %gather3A = tpu.vector_load_idx %arg8[%broadcast_in_dim3A_196, %add3A_214] : memref<32x512xf32, #tpu.memory_space<vmem>>[vector<16xi32>, vector<16xi32>], vector<16xf32>,
      %gather3A_215 = tpu.vector_load_idx %arg10[%broadcast_in_dim3A_196, %add3A_214] : memref<32x512xf32, #tpu.memory_space<vmem>>[vector<16xi32>, vector<16xi32>], vector<16xf32>,
      %add3A_216 = arith.addf %gather3A_215, %get3A_41 : vector<16xf32>
      %mul3A_217 = arith.mulf %gather3A, %get3A_29 : vector<16xf32>
      %add3A_218 = arith.addf %mul3A_217, %get3A_33 : vector<16xf32>
      %mul3A_219 = arith.mulf %gather3A_215, %get3A_37 : vector<16xf32>
      %add3A_220 = arith.addf %add3A_218, %mul3A_219 : vector<16xf32>
      %div3A = arith.divf %add3A_220, %add3A_216 : vector<16xf32>
      %mul3A_221 = arith.mulf %convert_element_type3A, %div3A : vector<16xf32>
      %add3A_222 = arith.addf %scan3A_189, %convert_element_type3A : vector<16xf32>
      %add3A_223 = arith.addf %scan3A_190, %mul3A_221 : vector<16xf32>
      %mul3A_224 = arith.mulf %mul3A_221, %div3A : vector<16xf32>
      %add3A_225 = arith.addf %scan3A_191, %mul3A_224 : vector<16xf32>
      %shift_right_arithmetic3A_226 = arith.constant 8 : i32
      %shift_right_arithmetic3A_227 = vector.broadcast %shift_right_arithmetic3A_226 : i32 to vector<16xi32>
      %shift_right_arithmetic3A_228 = arith.shrsi %bitcast3A, %shift_right_arithmetic3A_227 : vector<16xi32>
      %and3A_229 = arith.constant 1 : i32
      %and3A_230 = vector.broadcast %and3A_229 : i32 to vector<16xi32>
      %and3A_231 = arith.andi %shift_right_arithmetic3A_228, %and3A_230 : vector<16xi32>
      %convert_element_type3A_232 = arith.sitofp %and3A_231 : vector<16xi32> to vector<16xf32>
      %add3A_233 = arith.constant 1 : i32
      %add3A_234 = vector.broadcast %add3A_233 : i32 to vector<16xi32>
      %add3A_235 = arith.addi %add3A_205, %add3A_234 : vector<16xi32>
      %gather3A_236 = tpu.vector_load_idx %arg8[%broadcast_in_dim3A_196, %add3A_235] : memref<32x512xf32, #tpu.memory_space<vmem>>[vector<16xi32>, vector<16xi32>], vector<16xf32>,
      %gather3A_237 = tpu.vector_load_idx %arg10[%broadcast_in_dim3A_196, %add3A_235] : memref<32x512xf32, #tpu.memory_space<vmem>>[vector<16xi32>, vector<16xi32>], vector<16xf32>,
      %add3A_238 = arith.addf %gather3A_237, %get3A_41 : vector<16xf32>
      %mul3A_239 = arith.mulf %gather3A_236, %get3A_29 : vector<16xf32>
      %add3A_240 = arith.addf %mul3A_239, %get3A_33 : vector<16xf32>
      %mul3A_241 = arith.mulf %gather3A_237, %get3A_37 : vector<16xf32>
      %add3A_242 = arith.addf %add3A_240, %mul3A_241 : vector<16xf32>
      %div3A_243 = arith.divf %add3A_242, %add3A_238 : vector<16xf32>
      %mul3A_244 = arith.mulf %convert_element_type3A_232, %div3A_243 : vector<16xf32>
      %add3A_245 = arith.addf %add3A_222, %convert_element_type3A_232 : vector<16xf32>
      %add3A_246 = arith.addf %add3A_223, %mul3A_244 : vector<16xf32>
      %mul3A_247 = arith.mulf %mul3A_244, %div3A_243 : vector<16xf32>
      %add3A_248 = arith.addf %add3A_225, %mul3A_247 : vector<16xf32>
      %shift_right_arithmetic3A_249 = arith.constant 16 : i32
      %shift_right_arithmetic3A_250 = vector.broadcast %shift_right_arithmetic3A_249 : i32 to vector<16xi32>
      %shift_right_arithmetic3A_251 = arith.shrsi %bitcast3A, %shift_right_arithmetic3A_250 : vector<16xi32>
      %and3A_252 = arith.constant 1 : i32
      %and3A_253 = vector.broadcast %and3A_252 : i32 to vector<16xi32>
      %and3A_254 = arith.andi %shift_right_arithmetic3A_251, %and3A_253 : vector<16xi32>
      %convert_element_type3A_255 = arith.sitofp %and3A_254 : vector<16xi32> to vector<16xf32>
      %add3A_256 = arith.constant 2 : i32
      %add3A_257 = vector.broadcast %add3A_256 : i32 to vector<16xi32>
      %add3A_258 = arith.addi %add3A_205, %add3A_257 : vector<16xi32>
      %gather3A_259 = tpu.vector_load_idx %arg8[%broadcast_in_dim3A_196, %add3A_258] : memref<32x512xf32, #tpu.memory_space<vmem>>[vector<16xi32>, vector<16xi32>], vector<16xf32>,
      %gather3A_260 = tpu.vector_load_idx %arg10[%broadcast_in_dim3A_196, %add3A_258] : memref<32x512xf32, #tpu.memory_space<vmem>>[vector<16xi32>, vector<16xi32>], vector<16xf32>,
      %add3A_261 = arith.addf %gather3A_260, %get3A_41 : vector<16xf32>
      %mul3A_262 = arith.mulf %gather3A_259, %get3A_29 : vector<16xf32>
      %add3A_263 = arith.addf %mul3A_262, %get3A_33 : vector<16xf32>
      %mul3A_264 = arith.mulf %gather3A_260, %get3A_37 : vector<16xf32>
      %add3A_265 = arith.addf %add3A_263, %mul3A_264 : vector<16xf32>
      %div3A_266 = arith.divf %add3A_265, %add3A_261 : vector<16xf32>
      %mul3A_267 = arith.mulf %convert_element_type3A_255, %div3A_266 : vector<16xf32>
      %add3A_268 = arith.addf %add3A_245, %convert_element_type3A_255 : vector<16xf32>
      %add3A_269 = arith.addf %add3A_246, %mul3A_267 : vector<16xf32>
      %mul3A_270 = arith.mulf %mul3A_267, %div3A_266 : vector<16xf32>
      %add3A_271 = arith.addf %add3A_248, %mul3A_270 : vector<16xf32>
      %shift_right_arithmetic3A_272 = arith.constant 24 : i32
      %shift_right_arithmetic3A_273 = vector.broadcast %shift_right_arithmetic3A_272 : i32 to vector<16xi32>
      %shift_right_arithmetic3A_274 = arith.shrsi %bitcast3A, %shift_right_arithmetic3A_273 : vector<16xi32>
      %and3A_275 = arith.constant 1 : i32
      %and3A_276 = vector.broadcast %and3A_275 : i32 to vector<16xi32>
      %and3A_277 = arith.andi %shift_right_arithmetic3A_274, %and3A_276 : vector<16xi32>
      %convert_element_type3A_278 = arith.sitofp %and3A_277 : vector<16xi32> to vector<16xf32>
      %add3A_279 = arith.constant 3 : i32
      %add3A_280 = vector.broadcast %add3A_279 : i32 to vector<16xi32>
      %add3A_281 = arith.addi %add3A_205, %add3A_280 : vector<16xi32>
      %gather3A_282 = tpu.vector_load_idx %arg8[%broadcast_in_dim3A_196, %add3A_281] : memref<32x512xf32, #tpu.memory_space<vmem>>[vector<16xi32>, vector<16xi32>], vector<16xf32>,
      %gather3A_283 = tpu.vector_load_idx %arg10[%broadcast_in_dim3A_196, %add3A_281] : memref<32x512xf32, #tpu.memory_space<vmem>>[vector<16xi32>, vector<16xi32>], vector<16xf32>,
      %add3A_284 = arith.addf %gather3A_283, %get3A_41 : vector<16xf32>
      %mul3A_285 = arith.mulf %gather3A_282, %get3A_29 : vector<16xf32>
      %add3A_286 = arith.addf %mul3A_285, %get3A_33 : vector<16xf32>
      %mul3A_287 = arith.mulf %gather3A_283, %get3A_37 : vector<16xf32>
      %add3A_288 = arith.addf %add3A_286, %mul3A_287 : vector<16xf32>
      %div3A_289 = arith.divf %add3A_288, %add3A_284 : vector<16xf32>
      %mul3A_290 = arith.mulf %convert_element_type3A_278, %div3A_289 : vector<16xf32>
      %add3A_291 = arith.addf %add3A_268, %convert_element_type3A_278 : vector<16xf32>
      %add3A_292 = arith.addf %add3A_269, %mul3A_290 : vector<16xf32>
      %mul3A_293 = arith.mulf %mul3A_290, %div3A_289 : vector<16xf32>
      %add3A_294 = arith.addf %add3A_271, %mul3A_293 : vector<16xf32>
      scf.yield %add3A_291, %add3A_292, %add3A_294 : vector<16xf32>, vector<16xf32>, vector<16xf32>
    }
    %scan3A_146 = arith.constant 256 : i32
    %dma_wait3A_147 = arith.constant 0 : i32
    %dma_wait3A_148 = tpu.memref_slice %arg2[%shift_right_arithmetic3A_101, %multiple_of3A_104, %dma_wait3A_147] : memref<16x512x512xf32, #tpu.memory_space<hbm>> -> memref<1x32x512xf32, #tpu.memory_space<hbm>>
    %dma_wait3A_149 = tpu.memref_squeeze %dma_wait3A_148 : memref<1x32x512xf32, #tpu.memory_space<hbm>> -> memref<32x512xf32, #tpu.memory_space<hbm>>
    %dma_wait3A_150 = arith.constant 0 : i32
    %dma_wait3A_151 = tpu.memref_slice %arg2[%shift_right_arithmetic3A_101, %multiple_of3A_104, %dma_wait3A_150] : memref<16x512x512xf32, #tpu.memory_space<hbm>> -> memref<1x32x512xf32, #tpu.memory_space<hbm>>
    %dma_wait3A_152 = tpu.memref_squeeze %dma_wait3A_151 : memref<1x32x512xf32, #tpu.memory_space<hbm>> -> memref<32x512xf32, #tpu.memory_space<hbm>>
    tpu.wait_dma2 semaphore(%arg15 : memref<!tpu.dma_semaphore, #tpu.memory_space<semaphore_mem>>) src(%dma_wait3A_152 : memref<32x512xf32, #tpu.memory_space<hbm>>) dst(%arg7 : memref<32x512xf32, #tpu.memory_space<vmem>>)
    %dma_wait3A_153 = arith.constant 0 : i32
    %dma_wait3A_154 = tpu.memref_slice %arg3[%shift_right_arithmetic3A_101, %multiple_of3A_104, %dma_wait3A_153] : memref<16x512x512xf32, #tpu.memory_space<hbm>> -> memref<1x32x512xf32, #tpu.memory_space<hbm>>
    %dma_wait3A_155 = tpu.memref_squeeze %dma_wait3A_154 : memref<1x32x512xf32, #tpu.memory_space<hbm>> -> memref<32x512xf32, #tpu.memory_space<hbm>>
    %dma_wait3A_156 = arith.constant 0 : i32
    %dma_wait3A_157 = tpu.memref_slice %arg3[%shift_right_arithmetic3A_101, %multiple_of3A_104, %dma_wait3A_156] : memref<16x512x512xf32, #tpu.memory_space<hbm>> -> memref<1x32x512xf32, #tpu.memory_space<hbm>>
    %dma_wait3A_158 = tpu.memref_squeeze %dma_wait3A_157 : memref<1x32x512xf32, #tpu.memory_space<hbm>> -> memref<32x512xf32, #tpu.memory_space<hbm>>
    tpu.wait_dma2 semaphore(%arg15 : memref<!tpu.dma_semaphore, #tpu.memory_space<semaphore_mem>>) src(%dma_wait3A_158 : memref<32x512xf32, #tpu.memory_space<hbm>>) dst(%arg9 : memref<32x512xf32, #tpu.memory_space<vmem>>)
    %dma_wait3A_159 = arith.constant 0 : i32
    %dma_wait3A_160 = tpu.memref_slice %arg4[%shift_right_arithmetic3A_101, %multiple_of3A_104, %dma_wait3A_159] : memref<16x512x512xi8, #tpu.memory_space<hbm>> -> memref<1x32x512xi8, #tpu.memory_space<hbm>>
    %dma_wait3A_161 = tpu.memref_squeeze %dma_wait3A_160 : memref<1x32x512xi8, #tpu.memory_space<hbm>> -> memref<32x512xi8, #tpu.memory_space<hbm>>
    %dma_wait3A_162 = arith.constant 0 : i32
    %dma_wait3A_163 = tpu.memref_slice %arg4[%shift_right_arithmetic3A_101, %multiple_of3A_104, %dma_wait3A_162] : memref<16x512x512xi8, #tpu.memory_space<hbm>> -> memref<1x32x512xi8, #tpu.memory_space<hbm>>
    %dma_wait3A_164 = tpu.memref_squeeze %dma_wait3A_163 : memref<1x32x512xi8, #tpu.memory_space<hbm>> -> memref<32x512xi8, #tpu.memory_space<hbm>>
    tpu.wait_dma2 semaphore(%arg15 : memref<!tpu.dma_semaphore, #tpu.memory_space<semaphore_mem>>) src(%dma_wait3A_164 : memref<32x512xi8, #tpu.memory_space<hbm>>) dst(%arg11 : memref<32x512xi8, #tpu.memory_space<vmem>>)
    %scan3A_165 = arith.constant 0 : i32
    %scan3A_166 = arith.constant 256 : i32
    %scan3A_167 = arith.addi %scan3A_165, %scan3A_166 : i32
    %scan3A_168 = arith.constant 1 : i32
    %scan3A_169:3 = scf.for %scan3A_188 = %scan3A_165 to %scan3A_167 step %scan3A_168 iter_args(%scan3A_189 = %scan3A_145#0, %scan3A_190 = %scan3A_145#1, %scan3A_191 = %scan3A_145#2) -> (vector<16xf32>, vector<16xf32>, vector<16xf32>)  : i32 {
      %shift_right_arithmetic3A_192 = arith.constant 3 : i32
      %shift_right_arithmetic3A_193 = arith.shrsi %scan3A_188, %shift_right_arithmetic3A_192 : i32
      %and3A_194 = arith.constant 7 : i32
      %and3A_195 = arith.andi %scan3A_188, %and3A_194 : i32
      %broadcast_in_dim3A_196 = vector.broadcast %shift_right_arithmetic3A_193 : i32 to vector<16xi32>
      %mul3A_197 = arith.constant 64 : i32
      %mul3A_198 = arith.muli %and3A_195, %mul3A_197 : i32
      %get3A_199 = arith.index_cast %shift_right_arithmetic3A_193 : i32 to index
      %get3A_200 = arith.index_cast %mul3A_198 : i32 to index
      %get3A_201 = tpu.vector_load %arg11[%get3A_199, %get3A_200] {strides = array<i32>} : memref<32x512xi8, #tpu.memory_space<vmem>>, vector<64xi8>,
      %bitcast3A = vector.bitcast %get3A_201 : vector<64xi8> to vector<16xi32>
      %mul3A_202 = arith.constant 64 : i32
      %mul3A_203 = arith.muli %and3A_195, %mul3A_202 : i32
      %add3A_204 = vector.broadcast %mul3A_203 : i32 to vector<16xi32>
      %add3A_205 = arith.addi %add3A_204, %mul3A_26 : vector<16xi32>
      %shift_right_arithmetic3A_206 = arith.constant 0 : i32
      %shift_right_arithmetic3A_207 = vector.broadcast %shift_right_arithmetic3A_206 : i32 to vector<16xi32>
      %shift_right_arithmetic3A_208 = arith.shrsi %bitcast3A, %shift_right_arithmetic3A_207 : vector<16xi32>
      %and3A_209 = arith.constant 1 : i32
      %and3A_210 = vector.broadcast %and3A_209 : i32 to vector<16xi32>
      %and3A_211 = arith.andi %shift_right_arithmetic3A_208, %and3A_210 : vector<16xi32>
      %convert_element_type3A = arith.sitofp %and3A_211 : vector<16xi32> to vector<16xf32>
      %add3A_212 = arith.constant 0 : i32
      %add3A_213 = vector.broadcast %add3A_212 : i32 to vector<16xi32>
      %add3A_214 = arith.addi %add3A_205, %add3A_213 : vector<16xi32>
      %gather3A = tpu.vector_load_idx %arg7[%broadcast_in_dim3A_196, %add3A_214] : memref<32x512xf32, #tpu.memory_space<vmem>>[vector<16xi32>, vector<16xi32>], vector<16xf32>,
      %gather3A_215 = tpu.vector_load_idx %arg9[%broadcast_in_dim3A_196, %add3A_214] : memref<32x512xf32, #tpu.memory_space<vmem>>[vector<16xi32>, vector<16xi32>], vector<16xf32>,
      %add3A_216 = arith.addf %gather3A_215, %get3A_41 : vector<16xf32>
      %mul3A_217 = arith.mulf %gather3A, %get3A_29 : vector<16xf32>
      %add3A_218 = arith.addf %mul3A_217, %get3A_33 : vector<16xf32>
      %mul3A_219 = arith.mulf %gather3A_215, %get3A_37 : vector<16xf32>
      %add3A_220 = arith.addf %add3A_218, %mul3A_219 : vector<16xf32>
      %div3A = arith.divf %add3A_220, %add3A_216 : vector<16xf32>
      %mul3A_221 = arith.mulf %convert_element_type3A, %div3A : vector<16xf32>
      %add3A_222 = arith.addf %scan3A_189, %convert_element_type3A : vector<16xf32>
      %add3A_223 = arith.addf %scan3A_190, %mul3A_221 : vector<16xf32>
      %mul3A_224 = arith.mulf %mul3A_221, %div3A : vector<16xf32>
      %add3A_225 = arith.addf %scan3A_191, %mul3A_224 : vector<16xf32>
      %shift_right_arithmetic3A_226 = arith.constant 8 : i32
      %shift_right_arithmetic3A_227 = vector.broadcast %shift_right_arithmetic3A_226 : i32 to vector<16xi32>
      %shift_right_arithmetic3A_228 = arith.shrsi %bitcast3A, %shift_right_arithmetic3A_227 : vector<16xi32>
      %and3A_229 = arith.constant 1 : i32
      %and3A_230 = vector.broadcast %and3A_229 : i32 to vector<16xi32>
      %and3A_231 = arith.andi %shift_right_arithmetic3A_228, %and3A_230 : vector<16xi32>
      %convert_element_type3A_232 = arith.sitofp %and3A_231 : vector<16xi32> to vector<16xf32>
      %add3A_233 = arith.constant 1 : i32
      %add3A_234 = vector.broadcast %add3A_233 : i32 to vector<16xi32>
      %add3A_235 = arith.addi %add3A_205, %add3A_234 : vector<16xi32>
      %gather3A_236 = tpu.vector_load_idx %arg7[%broadcast_in_dim3A_196, %add3A_235] : memref<32x512xf32, #tpu.memory_space<vmem>>[vector<16xi32>, vector<16xi32>], vector<16xf32>,
      %gather3A_237 = tpu.vector_load_idx %arg9[%broadcast_in_dim3A_196, %add3A_235] : memref<32x512xf32, #tpu.memory_space<vmem>>[vector<16xi32>, vector<16xi32>], vector<16xf32>,
      %add3A_238 = arith.addf %gather3A_237, %get3A_41 : vector<16xf32>
      %mul3A_239 = arith.mulf %gather3A_236, %get3A_29 : vector<16xf32>
      %add3A_240 = arith.addf %mul3A_239, %get3A_33 : vector<16xf32>
      %mul3A_241 = arith.mulf %gather3A_237, %get3A_37 : vector<16xf32>
      %add3A_242 = arith.addf %add3A_240, %mul3A_241 : vector<16xf32>
      %div3A_243 = arith.divf %add3A_242, %add3A_238 : vector<16xf32>
      %mul3A_244 = arith.mulf %convert_element_type3A_232, %div3A_243 : vector<16xf32>
      %add3A_245 = arith.addf %add3A_222, %convert_element_type3A_232 : vector<16xf32>
      %add3A_246 = arith.addf %add3A_223, %mul3A_244 : vector<16xf32>
      %mul3A_247 = arith.mulf %mul3A_244, %div3A_243 : vector<16xf32>
      %add3A_248 = arith.addf %add3A_225, %mul3A_247 : vector<16xf32>
      %shift_right_arithmetic3A_249 = arith.constant 16 : i32
      %shift_right_arithmetic3A_250 = vector.broadcast %shift_right_arithmetic3A_249 : i32 to vector<16xi32>
      %shift_right_arithmetic3A_251 = arith.shrsi %bitcast3A, %shift_right_arithmetic3A_250 : vector<16xi32>
      %and3A_252 = arith.constant 1 : i32
      %and3A_253 = vector.broadcast %and3A_252 : i32 to vector<16xi32>
      %and3A_254 = arith.andi %shift_right_arithmetic3A_251, %and3A_253 : vector<16xi32>
      %convert_element_type3A_255 = arith.sitofp %and3A_254 : vector<16xi32> to vector<16xf32>
      %add3A_256 = arith.constant 2 : i32
      %add3A_257 = vector.broadcast %add3A_256 : i32 to vector<16xi32>
      %add3A_258 = arith.addi %add3A_205, %add3A_257 : vector<16xi32>
      %gather3A_259 = tpu.vector_load_idx %arg7[%broadcast_in_dim3A_196, %add3A_258] : memref<32x512xf32, #tpu.memory_space<vmem>>[vector<16xi32>, vector<16xi32>], vector<16xf32>,
      %gather3A_260 = tpu.vector_load_idx %arg9[%broadcast_in_dim3A_196, %add3A_258] : memref<32x512xf32, #tpu.memory_space<vmem>>[vector<16xi32>, vector<16xi32>], vector<16xf32>,
      %add3A_261 = arith.addf %gather3A_260, %get3A_41 : vector<16xf32>
      %mul3A_262 = arith.mulf %gather3A_259, %get3A_29 : vector<16xf32>
      %add3A_263 = arith.addf %mul3A_262, %get3A_33 : vector<16xf32>
      %mul3A_264 = arith.mulf %gather3A_260, %get3A_37 : vector<16xf32>
      %add3A_265 = arith.addf %add3A_263, %mul3A_264 : vector<16xf32>
      %div3A_266 = arith.divf %add3A_265, %add3A_261 : vector<16xf32>
      %mul3A_267 = arith.mulf %convert_element_type3A_255, %div3A_266 : vector<16xf32>
      %add3A_268 = arith.addf %add3A_245, %convert_element_type3A_255 : vector<16xf32>
      %add3A_269 = arith.addf %add3A_246, %mul3A_267 : vector<16xf32>
      %mul3A_270 = arith.mulf %mul3A_267, %div3A_266 : vector<16xf32>
      %add3A_271 = arith.addf %add3A_248, %mul3A_270 : vector<16xf32>
      %shift_right_arithmetic3A_272 = arith.constant 24 : i32
      %shift_right_arithmetic3A_273 = vector.broadcast %shift_right_arithmetic3A_272 : i32 to vector<16xi32>
      %shift_right_arithmetic3A_274 = arith.shrsi %bitcast3A, %shift_right_arithmetic3A_273 : vector<16xi32>
      %and3A_275 = arith.constant 1 : i32
      %and3A_276 = vector.broadcast %and3A_275 : i32 to vector<16xi32>
      %and3A_277 = arith.andi %shift_right_arithmetic3A_274, %and3A_276 : vector<16xi32>
      %convert_element_type3A_278 = arith.sitofp %and3A_277 : vector<16xi32> to vector<16xf32>
      %add3A_279 = arith.constant 3 : i32
      %add3A_280 = vector.broadcast %add3A_279 : i32 to vector<16xi32>
      %add3A_281 = arith.addi %add3A_205, %add3A_280 : vector<16xi32>
      %gather3A_282 = tpu.vector_load_idx %arg7[%broadcast_in_dim3A_196, %add3A_281] : memref<32x512xf32, #tpu.memory_space<vmem>>[vector<16xi32>, vector<16xi32>], vector<16xf32>,
      %gather3A_283 = tpu.vector_load_idx %arg9[%broadcast_in_dim3A_196, %add3A_281] : memref<32x512xf32, #tpu.memory_space<vmem>>[vector<16xi32>, vector<16xi32>], vector<16xf32>,
      %add3A_284 = arith.addf %gather3A_283, %get3A_41 : vector<16xf32>
      %mul3A_285 = arith.mulf %gather3A_282, %get3A_29 : vector<16xf32>
      %add3A_286 = arith.addf %mul3A_285, %get3A_33 : vector<16xf32>
      %mul3A_287 = arith.mulf %gather3A_283, %get3A_37 : vector<16xf32>
      %add3A_288 = arith.addf %add3A_286, %mul3A_287 : vector<16xf32>
      %div3A_289 = arith.divf %add3A_288, %add3A_284 : vector<16xf32>
      %mul3A_290 = arith.mulf %convert_element_type3A_278, %div3A_289 : vector<16xf32>
      %add3A_291 = arith.addf %add3A_268, %convert_element_type3A_278 : vector<16xf32>
      %add3A_292 = arith.addf %add3A_269, %mul3A_290 : vector<16xf32>
      %mul3A_293 = arith.mulf %mul3A_290, %div3A_289 : vector<16xf32>
      %add3A_294 = arith.addf %add3A_271, %mul3A_293 : vector<16xf32>
      scf.yield %add3A_291, %add3A_292, %add3A_294 : vector<16xf32>, vector<16xf32>, vector<16xf32>
    }
    %scan3A_170 = arith.constant 256 : i32
    %swap3A = arith.constant 0 : i32
    %swap3A_171 = arith.index_cast %swap3A : i32 to index
    %swap3A_172 = arith.constant 0 : index
    %swap3A_173 = tpu.vector_load %arg14[%swap3A_171, %swap3A_172] {strides = array<i32>} : memref<4x16xf32, #tpu.memory_space<vmem>>, vector<16xf32>,
    tpu.vector_store %arg14[%swap3A_171, %swap3A_172], %scan3A_169#0 {strides = array<i32>} : memref<4x16xf32, #tpu.memory_space<vmem>>, vector<16xf32>,
    %swap3A_174 = arith.constant 1 : i32
    %swap3A_175 = arith.index_cast %swap3A_174 : i32 to index
    %swap3A_176 = arith.constant 0 : index
    %swap3A_177 = tpu.vector_load %arg14[%swap3A_175, %swap3A_176] {strides = array<i32>} : memref<4x16xf32, #tpu.memory_space<vmem>>, vector<16xf32>,
    tpu.vector_store %arg14[%swap3A_175, %swap3A_176], %scan3A_169#1 {strides = array<i32>} : memref<4x16xf32, #tpu.memory_space<vmem>>, vector<16xf32>,
    %swap3A_178 = arith.constant 2 : i32
    %swap3A_179 = arith.index_cast %swap3A_178 : i32 to index
    %swap3A_180 = arith.constant 0 : index
    %swap3A_181 = tpu.vector_load %arg14[%swap3A_179, %swap3A_180] {strides = array<i32>} : memref<4x16xf32, #tpu.memory_space<vmem>>, vector<16xf32>,
    tpu.vector_store %arg14[%swap3A_179, %swap3A_180], %scan3A_169#2 {strides = array<i32>} : memref<4x16xf32, #tpu.memory_space<vmem>>, vector<16xf32>,
    %broadcast_in_dim3A_182 = arith.constant 0.000000e+00 : f32
    %broadcast_in_dim3A_183 = vector.broadcast %broadcast_in_dim3A_182 : f32 to vector<16xf32>
    %swap3A_184 = arith.constant 3 : i32
    %swap3A_185 = arith.index_cast %swap3A_184 : i32 to index
    %swap3A_186 = arith.constant 0 : index
    %swap3A_187 = tpu.vector_load %arg14[%swap3A_185, %swap3A_186] {strides = array<i32>} : memref<4x16xf32, #tpu.memory_space<vmem>>, vector<16xf32>,
    tpu.vector_store %arg14[%swap3A_185, %swap3A_186], %broadcast_in_dim3A_183 {strides = array<i32>} : memref<4x16xf32, #tpu.memory_space<vmem>>, vector<16xf32>,
    "tpu.region"() ({
      %run_scoped3A = tpu.sem_alloc : memref<!tpu.dma_semaphore, #tpu.memory_space<semaphore_mem>>
      %dma_start3A_188 = arith.constant 0 : i32
      %dma_start3A_189 = arith.constant 0 : i32
      %dma_start3A_190 = tpu.memref_slice %arg6[%add3A, %dma_start3A_188, %dma_start3A_189] : memref<32x4x16xf32, #tpu.memory_space<hbm>> -> memref<1x4x16xf32, #tpu.memory_space<hbm>>
      %dma_start3A_191 = tpu.memref_squeeze %dma_start3A_190 : memref<1x4x16xf32, #tpu.memory_space<hbm>> -> memref<4x16xf32, #tpu.memory_space<hbm>>
      %dma_start3A_192 = arith.constant 0 : i32
      %dma_start3A_193 = arith.constant 0 : i32
      %dma_start3A_194 = tpu.memref_slice %arg6[%add3A, %dma_start3A_192, %dma_start3A_193] : memref<32x4x16xf32, #tpu.memory_space<hbm>> -> memref<1x4x16xf32, #tpu.memory_space<hbm>>
      %dma_start3A_195 = tpu.memref_squeeze %dma_start3A_194 : memref<1x4x16xf32, #tpu.memory_space<hbm>> -> memref<4x16xf32, #tpu.memory_space<hbm>>
      tpu.enqueue_dma source(%arg14 : memref<4x16xf32, #tpu.memory_space<vmem>>) target(%dma_start3A_195 : memref<4x16xf32, #tpu.memory_space<hbm>>) target_semaphore(%run_scoped3A : memref<!tpu.dma_semaphore, #tpu.memory_space<semaphore_mem>>)
      %dma_wait3A_196 = arith.constant 0 : i32
      %dma_wait3A_197 = arith.constant 0 : i32
      %dma_wait3A_198 = tpu.memref_slice %arg6[%add3A, %dma_wait3A_196, %dma_wait3A_197] : memref<32x4x16xf32, #tpu.memory_space<hbm>> -> memref<1x4x16xf32, #tpu.memory_space<hbm>>
      %dma_wait3A_199 = tpu.memref_squeeze %dma_wait3A_198 : memref<1x4x16xf32, #tpu.memory_space<hbm>> -> memref<4x16xf32, #tpu.memory_space<hbm>>
      %dma_wait3A_200 = arith.constant 0 : i32
      %dma_wait3A_201 = arith.constant 0 : i32
      %dma_wait3A_202 = tpu.memref_slice %arg6[%add3A, %dma_wait3A_200, %dma_wait3A_201] : memref<32x4x16xf32, #tpu.memory_space<hbm>> -> memref<1x4x16xf32, #tpu.memory_space<hbm>>
      %dma_wait3A_203 = tpu.memref_squeeze %dma_wait3A_202 : memref<1x4x16xf32, #tpu.memory_space<hbm>> -> memref<4x16xf32, #tpu.memory_space<hbm>>
      tpu.wait_dma2 semaphore(%run_scoped3A : memref<!tpu.dma_semaphore, #tpu.memory_space<semaphore_mem>>) src(%arg14 : memref<4x16xf32, #tpu.memory_space<vmem>>) dst(%dma_wait3A_203 : memref<4x16xf32, #tpu.memory_space<hbm>>)
      tpu.yield
    }) : () -> ()
    return
  }
}

module attributes {stable_mosaic.version = 14 : i64} {
  func.func @_fin_body(%arg0: memref<32x4x16xf32, #tpu.memory_space<vmem>>, %arg1: memref<3x8x512xf32, #tpu.memory_space<vmem>>, %arg2: memref<1xf32, #tpu.memory_space<smem>>) attributes {dimension_semantics = [], scalar_prefetch = 0 : i64, scratch_operands = 0 : i64, tpu.core_type = #tpu.core_type<tc>} {
    %get3A = arith.constant 0 : index
    %get3A_0 = arith.constant 0 : index
    %get3A_1 = arith.constant 0 : index
    %get3A_2 = vector.load %arg0[%get3A, %get3A_0, %get3A_1] : memref<32x4x16xf32, #tpu.memory_space<vmem>>, vector<32x1x16xf32>
    %get3A_3 = vector.shape_cast %get3A_2 : vector<32x1x16xf32> to vector<32x16xf32>
    %reduce_sum3A = vector.shape_cast %get3A_3 : vector<32x16xf32> to vector<1x32x16xf32>
    %reduce_sum3A_4 = arith.constant dense<0.000000e+00> : vector<1xf32>
    %reduce_sum3A_5 = vector.multi_reduction <add>, %reduce_sum3A, %reduce_sum3A_4 [1, 2] : vector<1x32x16xf32> to vector<1xf32>
    %reduce_sum3A_6 = vector.shape_cast %reduce_sum3A_5 : vector<1xf32> to vector<1x1x1xf32>
    %reduce_sum3A_7 = vector.extract %reduce_sum3A_6[0, 0, 0] : f32 from vector<1x1x1xf32>
    %get3A_8 = arith.constant 0 : index
    %get3A_9 = arith.constant 0 : index
    %get3A_10 = arith.constant 0 : index
    %get3A_11 = vector.load %arg1[%get3A_8, %get3A_9, %get3A_10] : memref<3x8x512xf32, #tpu.memory_space<vmem>>, vector<1x8x512xf32>
    %get3A_12 = vector.shape_cast %get3A_11 : vector<1x8x512xf32> to vector<8x512xf32>
    %reduce_sum3A_13 = vector.shape_cast %get3A_12 : vector<8x512xf32> to vector<1x8x512xf32>
    %reduce_sum3A_14 = arith.constant dense<0.000000e+00> : vector<1xf32>
    %reduce_sum3A_15 = vector.multi_reduction <add>, %reduce_sum3A_13, %reduce_sum3A_14 [1, 2] : vector<1x8x512xf32> to vector<1xf32>
    %reduce_sum3A_16 = vector.shape_cast %reduce_sum3A_15 : vector<1xf32> to vector<1x1x1xf32>
    %reduce_sum3A_17 = vector.extract %reduce_sum3A_16[0, 0, 0] : f32 from vector<1x1x1xf32>
    %add3A = arith.addf %reduce_sum3A_7, %reduce_sum3A_17 : f32
    %get3A_18 = arith.constant 0 : index
    %get3A_19 = arith.constant 1 : index
    %get3A_20 = arith.constant 0 : index
    %get3A_21 = vector.load %arg0[%get3A_18, %get3A_19, %get3A_20] : memref<32x4x16xf32, #tpu.memory_space<vmem>>, vector<32x1x16xf32>
    %get3A_22 = vector.shape_cast %get3A_21 : vector<32x1x16xf32> to vector<32x16xf32>
    %reduce_sum3A_23 = vector.shape_cast %get3A_22 : vector<32x16xf32> to vector<1x32x16xf32>
    %reduce_sum3A_24 = arith.constant dense<0.000000e+00> : vector<1xf32>
    %reduce_sum3A_25 = vector.multi_reduction <add>, %reduce_sum3A_23, %reduce_sum3A_24 [1, 2] : vector<1x32x16xf32> to vector<1xf32>
    %reduce_sum3A_26 = vector.shape_cast %reduce_sum3A_25 : vector<1xf32> to vector<1x1x1xf32>
    %reduce_sum3A_27 = vector.extract %reduce_sum3A_26[0, 0, 0] : f32 from vector<1x1x1xf32>
    %get3A_28 = arith.constant 1 : index
    %get3A_29 = arith.constant 0 : index
    %get3A_30 = arith.constant 0 : index
    %get3A_31 = vector.load %arg1[%get3A_28, %get3A_29, %get3A_30] : memref<3x8x512xf32, #tpu.memory_space<vmem>>, vector<1x8x512xf32>
    %get3A_32 = vector.shape_cast %get3A_31 : vector<1x8x512xf32> to vector<8x512xf32>
    %reduce_sum3A_33 = vector.shape_cast %get3A_32 : vector<8x512xf32> to vector<1x8x512xf32>
    %reduce_sum3A_34 = arith.constant dense<0.000000e+00> : vector<1xf32>
    %reduce_sum3A_35 = vector.multi_reduction <add>, %reduce_sum3A_33, %reduce_sum3A_34 [1, 2] : vector<1x8x512xf32> to vector<1xf32>
    %reduce_sum3A_36 = vector.shape_cast %reduce_sum3A_35 : vector<1xf32> to vector<1x1x1xf32>
    %reduce_sum3A_37 = vector.extract %reduce_sum3A_36[0, 0, 0] : f32 from vector<1x1x1xf32>
    %add3A_38 = arith.addf %reduce_sum3A_27, %reduce_sum3A_37 : f32
    %get3A_39 = arith.constant 0 : index
    %get3A_40 = arith.constant 2 : index
    %get3A_41 = arith.constant 0 : index
    %get3A_42 = vector.load %arg0[%get3A_39, %get3A_40, %get3A_41] : memref<32x4x16xf32, #tpu.memory_space<vmem>>, vector<32x1x16xf32>
    %get3A_43 = vector.shape_cast %get3A_42 : vector<32x1x16xf32> to vector<32x16xf32>
    %reduce_sum3A_44 = vector.shape_cast %get3A_43 : vector<32x16xf32> to vector<1x32x16xf32>
    %reduce_sum3A_45 = arith.constant dense<0.000000e+00> : vector<1xf32>
    %reduce_sum3A_46 = vector.multi_reduction <add>, %reduce_sum3A_44, %reduce_sum3A_45 [1, 2] : vector<1x32x16xf32> to vector<1xf32>
    %reduce_sum3A_47 = vector.shape_cast %reduce_sum3A_46 : vector<1xf32> to vector<1x1x1xf32>
    %reduce_sum3A_48 = vector.extract %reduce_sum3A_47[0, 0, 0] : f32 from vector<1x1x1xf32>
    %get3A_49 = arith.constant 2 : index
    %get3A_50 = arith.constant 0 : index
    %get3A_51 = arith.constant 0 : index
    %get3A_52 = vector.load %arg1[%get3A_49, %get3A_50, %get3A_51] : memref<3x8x512xf32, #tpu.memory_space<vmem>>, vector<1x8x512xf32>
    %get3A_53 = vector.shape_cast %get3A_52 : vector<1x8x512xf32> to vector<8x512xf32>
    %reduce_sum3A_54 = vector.shape_cast %get3A_53 : vector<8x512xf32> to vector<1x8x512xf32>
    %reduce_sum3A_55 = arith.constant dense<0.000000e+00> : vector<1xf32>
    %reduce_sum3A_56 = vector.multi_reduction <add>, %reduce_sum3A_54, %reduce_sum3A_55 [1, 2] : vector<1x8x512xf32> to vector<1xf32>
    %reduce_sum3A_57 = vector.shape_cast %reduce_sum3A_56 : vector<1xf32> to vector<1x1x1xf32>
    %reduce_sum3A_58 = vector.extract %reduce_sum3A_57[0, 0, 0] : f32 from vector<1x1x1xf32>
    %add3A_59 = arith.addf %reduce_sum3A_48, %reduce_sum3A_58 : f32
    %div3A = arith.divf %add3A_38, %add3A : f32
    %add3A_60 = arith.constant 8.000000e-01 : f32
    %add3A_61 = arith.addf %div3A, %add3A_60 : f32
    %mul3A = arith.mulf %add3A_38, %div3A : f32
    %sub3A = arith.subf %add3A_59, %mul3A : f32
    %sub3A_62 = arith.constant 1.000000e+00 : f32
    %sub3A_63 = arith.subf %add3A, %sub3A_62 : f32
    %div3A_64 = arith.divf %sub3A, %sub3A_63 : f32
    %div3A_65 = arith.divf %div3A_64, %add3A_61 : f32
    %swap3A = arith.constant 0 : index
    %swap3A_66 = memref.load %arg2[%swap3A] : memref<1xf32, #tpu.memory_space<smem>>
    memref.store %div3A_65, %arg2[%swap3A] : memref<1xf32, #tpu.memory_space<smem>>
    return
  }
}

module attributes {stable_mosaic.version = 14 : i64} {
  func.func @_tc_body(%arg0: i32, %arg1: memref<6xf32, #tpu.memory_space<smem>>, %arg2: memref<1x512x512xf32, #tpu.memory_space<vmem>>, %arg3: memref<1x512x512xf32, #tpu.memory_space<vmem>>, %arg4: memref<1x512x512xi8, #tpu.memory_space<vmem>>, %arg5: memref<3x8x512xf32, #tpu.memory_space<vmem>>) attributes {dimension_semantics = [#tpu.dimension_semantics<arbitrary>], iteration_bounds = array<i64: 10>, scalar_prefetch = 0 : i64, scratch_operands = 0 : i64, tpu.core_type = #tpu.core_type<tc>, window_params = [{transform_indices = @transform_0, window_bounds = array<i64: 6>}, {transform_indices = @transform_1, window_bounds = array<i64: 1, 512, 512>}, {transform_indices = @transform_2, window_bounds = array<i64: 1, 512, 512>}, {transform_indices = @transform_3, window_bounds = array<i64: 1, 512, 512>}, {pipeline_mode = #tpu.pipeline_mode<synchronous>, transform_indices = @transform_4, window_bounds = array<i64: 3, 8, 512>}]} {
    %eq3A = arith.constant 0 : i32
    %eq3A_0 = arith.cmpi eq, %arg0, %eq3A : i32
    %convert_element_type3A = arith.extui %eq3A_0 : i1 to i32
    %cond3A = arith.constant 0 : i32
    %cond3A_1 = arith.cmpi ne, %convert_element_type3A, %cond3A : i32
    scf.if %cond3A_1 {
      %broadcast_in_dim3A = arith.constant 0.000000e+00 : f32
      %broadcast_in_dim3A_81 = vector.broadcast %broadcast_in_dim3A : f32 to vector<3x8x512xf32>
      %swap3A_82 = arith.constant 0 : index
      %swap3A_83 = arith.constant 0 : index
      %swap3A_84 = arith.constant 0 : index
      %swap3A_85 = vector.load %arg5[%swap3A_82, %swap3A_83, %swap3A_84] : memref<3x8x512xf32, #tpu.memory_space<vmem>>, vector<3x8x512xf32>
      tpu.vector_store %arg5[%swap3A_82, %swap3A_83, %swap3A_84], %broadcast_in_dim3A_81 {strides = array<i32>} : memref<3x8x512xf32, #tpu.memory_space<vmem>>, vector<3x8x512xf32>,
    } else {
    }
    %get3A = arith.constant 0 : index
    %get3A_2 = memref.load %arg1[%get3A] : memref<6xf32, #tpu.memory_space<smem>>
    %get3A_3 = arith.constant 1 : index
    %get3A_4 = memref.load %arg1[%get3A_3] : memref<6xf32, #tpu.memory_space<smem>>
    %get3A_5 = arith.constant 2 : index
    %get3A_6 = memref.load %arg1[%get3A_5] : memref<6xf32, #tpu.memory_space<smem>>
    %get3A_7 = arith.constant 3 : index
    %get3A_8 = memref.load %arg1[%get3A_7] : memref<6xf32, #tpu.memory_space<smem>>
    %get3A_9 = arith.constant 0 : index
    %get3A_10 = arith.constant 0 : index
    %get3A_11 = arith.constant 0 : index
    %get3A_12 = vector.load %arg2[%get3A_9, %get3A_10, %get3A_11] : memref<1x512x512xf32, #tpu.memory_space<vmem>>, vector<1x512x512xf32>
    %get3A_13 = vector.shape_cast %get3A_12 : vector<1x512x512xf32> to vector<512x512xf32>
    %get3A_14 = arith.constant 0 : index
    %get3A_15 = arith.constant 0 : index
    %get3A_16 = arith.constant 0 : index
    %get3A_17 = vector.load %arg3[%get3A_14, %get3A_15, %get3A_16] : memref<1x512x512xf32, #tpu.memory_space<vmem>>, vector<1x512x512xf32>
    %get3A_18 = vector.shape_cast %get3A_17 : vector<1x512x512xf32> to vector<512x512xf32>
    %get3A_19 = arith.constant 0 : index
    %get3A_20 = arith.constant 0 : index
    %get3A_21 = arith.constant 0 : index
    %get3A_22 = vector.load %arg4[%get3A_19, %get3A_20, %get3A_21] : memref<1x512x512xi8, #tpu.memory_space<vmem>>, vector<1x512x512xi8>
    %get3A_23 = vector.shape_cast %get3A_22 : vector<1x512x512xi8> to vector<512x512xi8>
    %convert_element_type3A_24 = arith.sitofp %get3A_23 : vector<512x512xi8> to vector<512x512xf32>
    %add3A = vector.broadcast %get3A_8 : f32 to vector<512x512xf32>
    %add3A_25 = arith.addf %get3A_18, %add3A : vector<512x512xf32>
    %mul3A = vector.broadcast %get3A_2 : f32 to vector<512x512xf32>
    %mul3A_26 = arith.mulf %get3A_13, %mul3A : vector<512x512xf32>
    %add3A_27 = vector.broadcast %get3A_4 : f32 to vector<512x512xf32>
    %add3A_28 = arith.addf %mul3A_26, %add3A_27 : vector<512x512xf32>
    %mul3A_29 = vector.broadcast %get3A_6 : f32 to vector<512x512xf32>
    %mul3A_30 = arith.mulf %get3A_18, %mul3A_29 : vector<512x512xf32>
    %add3A_31 = arith.addf %add3A_28, %mul3A_30 : vector<512x512xf32>
    %reciprocal3A = tpu.reciprocal %add3A_25 {approx = true} : vector<512x512xf32> -> vector<512x512xf32>
    %mul3A_32 = arith.mulf %add3A_25, %reciprocal3A : vector<512x512xf32>
    %sub3A = arith.constant 2.000000e+00 : f32
    %sub3A_33 = vector.broadcast %sub3A : f32 to vector<512x512xf32>
    %sub3A_34 = arith.subf %sub3A_33, %mul3A_32 : vector<512x512xf32>
    %mul3A_35 = arith.mulf %reciprocal3A, %sub3A_34 : vector<512x512xf32>
    %mul3A_36 = arith.mulf %add3A_31, %mul3A_35 : vector<512x512xf32>
    %mul3A_37 = arith.mulf %convert_element_type3A_24, %mul3A_36 : vector<512x512xf32>
    %mul3A_38 = arith.mulf %mul3A_37, %mul3A_36 : vector<512x512xf32>
    %get3A_39 = arith.constant 0 : index
    %get3A_40 = arith.constant 0 : index
    %get3A_41 = arith.constant 0 : index
    %get3A_42 = vector.load %arg5[%get3A_39, %get3A_40, %get3A_41] : memref<3x8x512xf32, #tpu.memory_space<vmem>>, vector<1x8x512xf32>
    %get3A_43 = vector.shape_cast %get3A_42 : vector<1x8x512xf32> to vector<8x512xf32>
    %reshape3A = vector.shape_cast %convert_element_type3A_24 : vector<512x512xf32> to vector<64x8x512xf32>
    %reduce_sum3A = arith.constant dense<0.000000e+00> : vector<8x512xf32>
    %reduce_sum3A_44 = vector.multi_reduction <add>, %reshape3A, %reduce_sum3A [0] : vector<64x8x512xf32> to vector<8x512xf32>
    %add3A_45 = arith.addf %get3A_43, %reduce_sum3A_44 : vector<8x512xf32>
    %swap3A = arith.constant 0 : index
    %swap3A_46 = arith.constant 0 : index
    %swap3A_47 = arith.constant 0 : index
    %swap3A_48 = vector.load %arg5[%swap3A, %swap3A_46, %swap3A_47] : memref<3x8x512xf32, #tpu.memory_space<vmem>>, vector<1x8x512xf32>
    %swap3A_49 = vector.shape_cast %swap3A_48 : vector<1x8x512xf32> to vector<8x512xf32>
    %swap3A_50 = vector.shape_cast %add3A_45 : vector<8x512xf32> to vector<1x8x512xf32>
    tpu.vector_store %arg5[%swap3A, %swap3A_46, %swap3A_47], %swap3A_50 {strides = array<i32>} : memref<3x8x512xf32, #tpu.memory_space<vmem>>, vector<1x8x512xf32>,
    %get3A_51 = arith.constant 1 : index
    %get3A_52 = arith.constant 0 : index
    %get3A_53 = arith.constant 0 : index
    %get3A_54 = vector.load %arg5[%get3A_51, %get3A_52, %get3A_53] : memref<3x8x512xf32, #tpu.memory_space<vmem>>, vector<1x8x512xf32>
    %get3A_55 = vector.shape_cast %get3A_54 : vector<1x8x512xf32> to vector<8x512xf32>
    %reshape3A_56 = vector.shape_cast %mul3A_37 : vector<512x512xf32> to vector<64x8x512xf32>
    %reduce_sum3A_57 = arith.constant dense<0.000000e+00> : vector<8x512xf32>
    %reduce_sum3A_58 = vector.multi_reduction <add>, %reshape3A_56, %reduce_sum3A_57 [0] : vector<64x8x512xf32> to vector<8x512xf32>
    %add3A_59 = arith.addf %get3A_55, %reduce_sum3A_58 : vector<8x512xf32>
    %swap3A_60 = arith.constant 1 : index
    %swap3A_61 = arith.constant 0 : index
    %swap3A_62 = arith.constant 0 : index
    %swap3A_63 = vector.load %arg5[%swap3A_60, %swap3A_61, %swap3A_62] : memref<3x8x512xf32, #tpu.memory_space<vmem>>, vector<1x8x512xf32>
    %swap3A_64 = vector.shape_cast %swap3A_63 : vector<1x8x512xf32> to vector<8x512xf32>
    %swap3A_65 = vector.shape_cast %add3A_59 : vector<8x512xf32> to vector<1x8x512xf32>
    tpu.vector_store %arg5[%swap3A_60, %swap3A_61, %swap3A_62], %swap3A_65 {strides = array<i32>} : memref<3x8x512xf32, #tpu.memory_space<vmem>>, vector<1x8x512xf32>,
    %get3A_66 = arith.constant 2 : index
    %get3A_67 = arith.constant 0 : index
    %get3A_68 = arith.constant 0 : index
    %get3A_69 = vector.load %arg5[%get3A_66, %get3A_67, %get3A_68] : memref<3x8x512xf32, #tpu.memory_space<vmem>>, vector<1x8x512xf32>
    %get3A_70 = vector.shape_cast %get3A_69 : vector<1x8x512xf32> to vector<8x512xf32>
    %reshape3A_71 = vector.shape_cast %mul3A_38 : vector<512x512xf32> to vector<64x8x512xf32>
    %reduce_sum3A_72 = arith.constant dense<0.000000e+00> : vector<8x512xf32>
    %reduce_sum3A_73 = vector.multi_reduction <add>, %reshape3A_71, %reduce_sum3A_72 [0] : vector<64x8x512xf32> to vector<8x512xf32>
    %add3A_74 = arith.addf %get3A_70, %reduce_sum3A_73 : vector<8x512xf32>
    %swap3A_75 = arith.constant 2 : index
    %swap3A_76 = arith.constant 0 : index
    %swap3A_77 = arith.constant 0 : index
    %swap3A_78 = vector.load %arg5[%swap3A_75, %swap3A_76, %swap3A_77] : memref<3x8x512xf32, #tpu.memory_space<vmem>>, vector<1x8x512xf32>
    %swap3A_79 = vector.shape_cast %swap3A_78 : vector<1x8x512xf32> to vector<8x512xf32>
    %swap3A_80 = vector.shape_cast %add3A_74 : vector<8x512xf32> to vector<1x8x512xf32>
    tpu.vector_store %arg5[%swap3A_75, %swap3A_76, %swap3A_77], %swap3A_80 {strides = array<i32>} : memref<3x8x512xf32, #tpu.memory_space<vmem>>, vector<1x8x512xf32>,
    return
  }
  func.func @transform_0(%arg0: i32) -> i32 {
    %c0_i32 = arith.constant 0 : i32
    %c0_i32_0 = arith.constant 0 : i32
    return %c0_i32 : i32
  }
  func.func @transform_1(%arg0: i32) -> (i32, i32, i32) {
    %jit3A = arith.constant 1 : i32
    %div3A = arith.divsi %arg0, %jit3A : i32
    %sign3A = arith.constant 0 : i32
    %sign3A_0 = arith.cmpi sgt, %arg0, %sign3A : i32
    %sign3A_1 = arith.extui %sign3A_0 : i1 to i32
    %sign3A_2 = arith.constant 0 : i32
    %sign3A_3 = arith.cmpi slt, %arg0, %sign3A_2 : i32
    %sign3A_4 = arith.extui %sign3A_3 : i1 to i32
    %sign3A_5 = arith.subi %sign3A_1, %sign3A_4 : i32
    %sign3A_6 = arith.constant 0 : i32
    %sign3A_7 = arith.cmpi sgt, %jit3A, %sign3A_6 : i32
    %sign3A_8 = arith.extui %sign3A_7 : i1 to i32
    %sign3A_9 = arith.constant 0 : i32
    %sign3A_10 = arith.cmpi slt, %jit3A, %sign3A_9 : i32
    %sign3A_11 = arith.extui %sign3A_10 : i1 to i32
    %sign3A_12 = arith.subi %sign3A_8, %sign3A_11 : i32
    %ne3A = arith.cmpi ne, %sign3A_5, %sign3A_12 : i32
    %rem3A = arith.remsi %arg0, %jit3A : i32
    %ne3A_13 = arith.constant 0 : i32
    %ne3A_14 = arith.cmpi ne, %rem3A, %ne3A_13 : i32
    %and3A = arith.andi %ne3A, %ne3A_14 : i1
    %sub3A = arith.constant 1 : i32
    %sub3A_15 = arith.subi %div3A, %sub3A : i32
    %select_n3A = arith.select %and3A, %sub3A_15, %div3A : i32
    %add3A = arith.constant 6 : i32
    %add3A_16 = arith.addi %add3A, %select_n3A : i32
    %jit3A_17 = arith.constant 1 : i32
    %eq3A = arith.constant 0 : i32
    %eq3A_18 = arith.cmpi eq, %jit3A_17, %eq3A : i32
    %jit3A_19 = arith.constant 1 : i32
    %select_n3A_20 = arith.select %eq3A_18, %jit3A_19, %jit3A_17 : i32
    %rem3A_21 = arith.remsi %arg0, %select_n3A_20 : i32
    %ne3A_22 = arith.constant 0 : i32
    %ne3A_23 = arith.cmpi ne, %rem3A_21, %ne3A_22 : i32
    %lt3A = arith.constant 0 : i32
    %lt3A_24 = arith.cmpi slt, %rem3A_21, %lt3A : i32
    %lt3A_25 = arith.constant 0 : i32
    %lt3A_26 = arith.cmpi slt, %select_n3A_20, %lt3A_25 : i32
    %ne3A_27 = arith.xori %lt3A_24, %lt3A_26 : i1
    %and3A_28 = arith.andi %ne3A_27, %ne3A_23 : i1
    %add3A_29 = arith.addi %rem3A_21, %select_n3A_20 : i32
    %select_n3A_30 = arith.select %and3A_28, %add3A_29, %rem3A_21 : i32
    %c0_i32 = arith.constant 0 : i32
    %c0_i32_31 = arith.constant 0 : i32
    return %add3A_16, %select_n3A_30, %c0_i32 : i32, i32, i32
  }
  func.func @transform_2(%arg0: i32) -> (i32, i32, i32) {
    %jit3A = arith.constant 1 : i32
    %div3A = arith.divsi %arg0, %jit3A : i32
    %sign3A = arith.constant 0 : i32
    %sign3A_0 = arith.cmpi sgt, %arg0, %sign3A : i32
    %sign3A_1 = arith.extui %sign3A_0 : i1 to i32
    %sign3A_2 = arith.constant 0 : i32
    %sign3A_3 = arith.cmpi slt, %arg0, %sign3A_2 : i32
    %sign3A_4 = arith.extui %sign3A_3 : i1 to i32
    %sign3A_5 = arith.subi %sign3A_1, %sign3A_4 : i32
    %sign3A_6 = arith.constant 0 : i32
    %sign3A_7 = arith.cmpi sgt, %jit3A, %sign3A_6 : i32
    %sign3A_8 = arith.extui %sign3A_7 : i1 to i32
    %sign3A_9 = arith.constant 0 : i32
    %sign3A_10 = arith.cmpi slt, %jit3A, %sign3A_9 : i32
    %sign3A_11 = arith.extui %sign3A_10 : i1 to i32
    %sign3A_12 = arith.subi %sign3A_8, %sign3A_11 : i32
    %ne3A = arith.cmpi ne, %sign3A_5, %sign3A_12 : i32
    %rem3A = arith.remsi %arg0, %jit3A : i32
    %ne3A_13 = arith.constant 0 : i32
    %ne3A_14 = arith.cmpi ne, %rem3A, %ne3A_13 : i32
    %and3A = arith.andi %ne3A, %ne3A_14 : i1
    %sub3A = arith.constant 1 : i32
    %sub3A_15 = arith.subi %div3A, %sub3A : i32
    %select_n3A = arith.select %and3A, %sub3A_15, %div3A : i32
    %add3A = arith.constant 6 : i32
    %add3A_16 = arith.addi %add3A, %select_n3A : i32
    %jit3A_17 = arith.constant 1 : i32
    %eq3A = arith.constant 0 : i32
    %eq3A_18 = arith.cmpi eq, %jit3A_17, %eq3A : i32
    %jit3A_19 = arith.constant 1 : i32
    %select_n3A_20 = arith.select %eq3A_18, %jit3A_19, %jit3A_17 : i32
    %rem3A_21 = arith.remsi %arg0, %select_n3A_20 : i32
    %ne3A_22 = arith.constant 0 : i32
    %ne3A_23 = arith.cmpi ne, %rem3A_21, %ne3A_22 : i32
    %lt3A = arith.constant 0 : i32
    %lt3A_24 = arith.cmpi slt, %rem3A_21, %lt3A : i32
    %lt3A_25 = arith.constant 0 : i32
    %lt3A_26 = arith.cmpi slt, %select_n3A_20, %lt3A_25 : i32
    %ne3A_27 = arith.xori %lt3A_24, %lt3A_26 : i1
    %and3A_28 = arith.andi %ne3A_27, %ne3A_23 : i1
    %add3A_29 = arith.addi %rem3A_21, %select_n3A_20 : i32
    %select_n3A_30 = arith.select %and3A_28, %add3A_29, %rem3A_21 : i32
    %c0_i32 = arith.constant 0 : i32
    %c0_i32_31 = arith.constant 0 : i32
    return %add3A_16, %select_n3A_30, %c0_i32 : i32, i32, i32
  }
  func.func @transform_3(%arg0: i32) -> (i32, i32, i32) {
    %jit3A = arith.constant 1 : i32
    %div3A = arith.divsi %arg0, %jit3A : i32
    %sign3A = arith.constant 0 : i32
    %sign3A_0 = arith.cmpi sgt, %arg0, %sign3A : i32
    %sign3A_1 = arith.extui %sign3A_0 : i1 to i32
    %sign3A_2 = arith.constant 0 : i32
    %sign3A_3 = arith.cmpi slt, %arg0, %sign3A_2 : i32
    %sign3A_4 = arith.extui %sign3A_3 : i1 to i32
    %sign3A_5 = arith.subi %sign3A_1, %sign3A_4 : i32
    %sign3A_6 = arith.constant 0 : i32
    %sign3A_7 = arith.cmpi sgt, %jit3A, %sign3A_6 : i32
    %sign3A_8 = arith.extui %sign3A_7 : i1 to i32
    %sign3A_9 = arith.constant 0 : i32
    %sign3A_10 = arith.cmpi slt, %jit3A, %sign3A_9 : i32
    %sign3A_11 = arith.extui %sign3A_10 : i1 to i32
    %sign3A_12 = arith.subi %sign3A_8, %sign3A_11 : i32
    %ne3A = arith.cmpi ne, %sign3A_5, %sign3A_12 : i32
    %rem3A = arith.remsi %arg0, %jit3A : i32
    %ne3A_13 = arith.constant 0 : i32
    %ne3A_14 = arith.cmpi ne, %rem3A, %ne3A_13 : i32
    %and3A = arith.andi %ne3A, %ne3A_14 : i1
    %sub3A = arith.constant 1 : i32
    %sub3A_15 = arith.subi %div3A, %sub3A : i32
    %select_n3A = arith.select %and3A, %sub3A_15, %div3A : i32
    %add3A = arith.constant 6 : i32
    %add3A_16 = arith.addi %add3A, %select_n3A : i32
    %jit3A_17 = arith.constant 1 : i32
    %eq3A = arith.constant 0 : i32
    %eq3A_18 = arith.cmpi eq, %jit3A_17, %eq3A : i32
    %jit3A_19 = arith.constant 1 : i32
    %select_n3A_20 = arith.select %eq3A_18, %jit3A_19, %jit3A_17 : i32
    %rem3A_21 = arith.remsi %arg0, %select_n3A_20 : i32
    %ne3A_22 = arith.constant 0 : i32
    %ne3A_23 = arith.cmpi ne, %rem3A_21, %ne3A_22 : i32
    %lt3A = arith.constant 0 : i32
    %lt3A_24 = arith.cmpi slt, %rem3A_21, %lt3A : i32
    %lt3A_25 = arith.constant 0 : i32
    %lt3A_26 = arith.cmpi slt, %select_n3A_20, %lt3A_25 : i32
    %ne3A_27 = arith.xori %lt3A_24, %lt3A_26 : i1
    %and3A_28 = arith.andi %ne3A_27, %ne3A_23 : i1
    %add3A_29 = arith.addi %rem3A_21, %select_n3A_20 : i32
    %select_n3A_30 = arith.select %and3A_28, %add3A_29, %rem3A_21 : i32
    %c0_i32 = arith.constant 0 : i32
    %c0_i32_31 = arith.constant 0 : i32
    return %add3A_16, %select_n3A_30, %c0_i32 : i32, i32, i32
  }
  func.func @transform_4(%arg0: i32) -> (i32, i32, i32) {
    %c0_i32 = arith.constant 0 : i32
    %c0_i32_0 = arith.constant 0 : i32
    %c0_i32_1 = arith.constant 0 : i32
    %c0_i32_2 = arith.constant 0 : i32
    return %c0_i32, %c0_i32_0, %c0_i32_1 : i32, i32, i32
  }
}

</mosaic_0001>

<sc_bundles>
// kernel: kernel.5.cloned.1.call-start
scs
__scs_entry_jumppad:
0x0: {  	(pc) =	sbr.rel $0x88, $3  }
0x1: {  	(tag) =	ssettag $0x0;
	lr =	simm.s32 $0x1  }
0x2: {  	[smem:$0x3F9A] =	sst lr;
	_ =	strace $0xD0000000  }
0x3: {  	_ = 	snop  }
0x4: {  	_ = 	snop  }
0x5: {  	_ = 	snop  }
0x6: {  	_ = 	snop  }
0x7: {  	_ = 	snop  }
__scs_overlays_trampoline_lowered:
0x8: {  	[smem:$0x3FA9] =	sst s0  }
0x9: {  	[smem:$0x3FAA] =	sst s1  }
0xa: {  	[smem:$0x3FAB] =	sst s2  }
0xb: {  	[smem:$0x3FAC] =	sst s3  }
0xc: {  	[smem:$0x3FAD] =	sst s4  }
0xd: {  	[smem:$0x3FAE] =	sst s5  }
0xe: {  	[smem:$0x3FAF] =	sst s6  }
0xf: {  	[smem:$0x3FB0] =	sst s7  }
0x10: {  	[smem:$0x3FB1] =	sst s8  }
0x11: {  	[smem:$0x3FB2] =	sst s9;
	s0 =	simm.s32 @!p0 $0x0  }
0x12: {  	s1 =	sld [smem:$0x3F98];
	s0 =	simm.s32 @p0 $0x1  }
0x13: {  	[smem:$0x3FB3] =	sst s0;
	s0 =	simm.s32 @!p1 $0x0  }
0x14: {  	s2 =	sld [smem:$0x3F97];
	s0 =	simm.s32 @p1 $0x1  }
0x15: {  	[smem:$0x3FB4] =	sst s0;
	s0 =	simm.s32 @!p2 $0x0  }
0x16: {  	s3 =	sld [smem:$0x3FDB];
	s0 =	simm.s32 @p2 $0x1  }
0x17: {  	s4 =	simm.s32 $0x1BF5;
	[smem:$0x3FB6] =	sst s0  }
0x18: {  	s0 =	sld [smem:$0x3F99];
	_ =	swait.ge [sflag:s4], $0x0  }
0x19: {  	s7 =	sld [smem:$0x3F9A]  }
0x1a: {  	s8 =	sadd.s32 $0xFFFFE003, lr  }
0x1b: {  	s9 =	sadd.s32 $0xFFFFFEF7, lr;
	s5 =	simm.s32 $0xFFFFFFFF;
	p2 =	slt.u32 s8, $0xFFFFF086  }
0x1c: {  	p1 =	slt.u32 s9, $0xF7A;
	s5 =	simm.s32 @!p2 $0x0  }
0x1d: {  	s5 =	simm.s32 @p1 $0x1;
	p0 =	seq.s32 s7, s2  }
0x1e: {  	s7 =	smul.u32 @!p0 $0xF7A, s2;
	p2 =	seq.s32 @!p0 s5, $0x0  }
0x1f: {  	s9 =	smul.u32 $0xF7A, s1;
	s8 =	simm.s32 @!p0 $0x1BF5;
	p2 =	por !p2, p0  }
0x20: {  	[sflag:s8] =	ssyncset.s32 @!p0 $0xFFFFF086;
	s6 =	sadd.s32 @!p0 s3, s7;
	s7 =	simm.s32 @!p0 $0x108  }
0x21: {  	s3 =	sadd.s32 s3, s9;
	s6 =	sadd.s32 @!p0 $0x88, s6;
	s7 =	simm.s32 @p2 $0x1082  }
0x22: {  	[simem:s7], [sflag:s8] =	dma.local @!p0 [hbm:s6], $0xF7A  }
0x23: {  	s9 =	sor.u32 $0xD0000000, s2;
	s6 =	simm.s32 $0x108;
	_ =	swait.ge @!p0 [sflag:s8], $0x0  }
0x24: {  	s3 =	sadd.s32 $0x88, s3;
	s6 =	simm.s32 @!p1 $0x1082;
	[sflag:s4] =	ssyncset.s32 $0xFFFFF086  }
0x25: {  	[simem:s6], [sflag:s4] =	dma.local [hbm:s3], $0xF7A  }
0x26: {  	[smem:$0x3F9A] =	sst s1;
	(tag) =	ssettag s2;
	_ =	strace s9  }
0x27: {  	s1 =	sld [smem:$0x3FAA]  }
0x28: {  	s2 =	sld [smem:$0x3FAB]  }
0x29: {  	s4 =	sld [smem:$0x3FAD]  }
0x2a: {  	p0 =	seq.s32 s5, $0x0;
	s5 =	sld [smem:$0x3FAE]  }
0x2b: {  	s6 =	sld [smem:$0x3FAF]  }
0x2c: {  	s7 =	sld [smem:$0x3FB0]  }
0x2d: {  	s3 =	simm.s32 $0x108;
	s8 =	sld [smem:$0x3FB1]  }
0x2e: {  	s3 =	simm.s32 @!p0 $0x1082;
	s9 =	sld [smem:$0x3FB2]  }
0x2f: {  	lr =	sadd.s32 s0, s3;
	s0 =	sld [smem:$0x3FA9]  }
0x30: {  	s3 =	sld [smem:$0x3FAC]  }
0x31: {  	[smem:$0x3FB5] =	sst s10  }
0x32: {  	s10 =	sld [smem:$0x3FB3];
	_ =	sdelay $0x3  }
0x33: {  	p0 =	seq.s32 s10, $0x1;
	s10 =	sld [smem:$0x3FB5];
	_ =	sdelay $0x3  }
0x34: {  	[smem:$0x3FB5] =	sst s10  }
0x35: {  	s10 =	sld [smem:$0x3FB4];
	_ =	sdelay $0x3  }
0x36: {  	p1 =	seq.s32 s10, $0x1;
	s10 =	sld [smem:$0x3FB5];
	_ =	sdelay $0x3  }
0x37: {  	[smem:$0x3FB5] =	sst s10  }
0x38: {  	s10 =	sld [smem:$0x3FB6]  }
0x39: {  	_ = 	snop;
	(pc) =	sbr.ind lr, $3  }
0x3a: {  	_ = 	snop  }
0x3b: {  	_ = 	snop  }
0x3c: {  	p2 =	seq.s32 s10, $0x1;
	s10 =	sld [smem:$0x3FB5]  }
0x3d: {  	_ =	shalt  }
0x3e: {  	_ =	shalt  }
0x3f: {  	_ =	shalt  }
0x40: {  	_ =	shalt  }
0x41: {  	_ =	shalt  }
0x42: {  	_ =	shalt  }
0x43: {  	_ =	shalt  }
0x44: {  	_ =	shalt  }
0x45: {  	_ =	shalt  }
0x46: {  	_ =	shalt  }
0x47: {  	_ =	shalt  }
0x48: {  	_ =	shalt  }
0x49: {  	_ =	shalt  }
0x4a: {  	_ =	shalt  }
0x4b: {  	_ =	shalt  }
0x4c: {  	_ =	shalt  }
0x4d: {  	_ =	shalt  }
0x4e: {  	_ =	shalt  }
0x4f: {  	_ =	shalt  }
0x50: {  	_ =	shalt  }
0x51: {  	_ =	shalt  }
0x52: {  	_ =	shalt  }
0x53: {  	_ =	shalt  }
0x54: {  	_ =	shalt  }
0x55: {  	_ =	shalt  }
0x56: {  	_ =	shalt  }
0x57: {  	_ =	shalt  }
0x58: {  	_ =	shalt  }
0x59: {  	_ =	shalt  }
0x5a: {  	_ =	shalt  }
0x5b: {  	_ =	shalt  }
0x5c: {  	_ =	shalt  }
0x5d: {  	_ =	shalt  }
0x5e: {  	_ =	shalt  }
0x5f: {  	_ =	shalt  }
0x60: {  	_ =	shalt  }
0x61: {  	_ =	shalt  }
0x62: {  	_ =	shalt  }
0x63: {  	_ =	shalt  }
0x64: {  	_ =	shalt  }
0x65: {  	_ =	shalt  }
0x66: {  	_ =	shalt  }
0x67: {  	_ =	shalt  }
0x68: {  	_ =	shalt  }
0x69: {  	_ =	shalt  }
0x6a: {  	_ =	shalt  }
0x6b: {  	_ =	shalt  }
0x6c: {  	_ =	shalt  }
0x6d: {  	_ =	shalt  }
0x6e: {  	_ =	shalt  }
0x6f: {  	_ =	shalt  }
0x70: {  	_ =	shalt  }
0x71: {  	_ =	shalt  }
0x72: {  	_ =	shalt  }
0x73: {  	_ =	shalt  }
0x74: {  	_ =	shalt  }
0x75: {  	_ =	shalt  }
0x76: {  	_ =	shalt  }
0x77: {  	_ =	shalt  }
0x78: {  	_ =	shalt  }
0x79: {  	_ =	shalt  }
0x7a: {  	_ =	shalt  }
0x7b: {  	_ =	shalt  }
0x7c: {  	_ =	shalt  }
0x7d: {  	_ =	shalt  }
0x7e: {  	_ =	shalt  }
0x7f: {  	_ =	shalt  }
0x80: {  	_ =	shalt  }
0x81: {  	_ =	shalt  }
0x82: {  	_ =	shalt  }
0x83: {  	_ =	shalt  }
0x84: {  	_ =	shalt  }
0x85: {  	_ =	shalt  }
0x86: {  	_ =	shalt  }
0x87: {  	_ =	shalt  }
.Lfunc_end0:
.L_simem_size_0:
called_computation_lowered:
.L_overlay_start_0:
0x88: {  	s2 =	sld [smem:$0x3FD9]  }
0x89: {  	s3 =	sld [smem:$0x3FFE];
	_ =	sdelay $0x1  }
0x8a: {  	s1 =	srdreg.scid  }
0x8b: {  	s0 =	sand.u32 $0x1, s1  }
0x8c: {  	s17 =	sshll.u32 s0, $0xA;
	s2 =	sadd.s32 s3, s2  }
0x8d: {  	s2 =	sadd.s32 s2, s17  }
0x8e: {  	[smem:$0x3FC1] =	sst s2  }
0x8f: {  	_ = 	snop  }
0x90: {  	s2 =	sld [smem:$0x3FC9]  }
0x91: {  	s18 =	sld [smem:$0x3FC8];
	(tm) =	ssettm $0x1  }
0x92: {  	s4 =	sld [smem:$0x3FFB];
	_ =	sdelay $0x3  }
0x93: {  	_ =	strace s4  }
0x94: {  	s4 =	sld [smem:$0x3FFC];
	_ =	sdelay $0x3  }
0x95: {  	_ =	strace s4  }
0x96: {  	s4 =	sld [smem:$0x3FFD];
	_ =	sdelay $0x3  }
0x97: {  	_ =	strace s4  }
0x98: {  	_ =	strace $0x8FFFFFFF  }
0x99: {  	s19 =	sld [smem:$0x3FDB];
	_ =	sdelay $0x1  }
0x9a: {  	s5 =	simm.s32 $_scs_section_size  }
0x9b: {  	s6 =	simm.s32 $_size__tile_overlayer_lowered;
	s7 =	simm.s32 $_tile_overlayer_lowered  }
0x9c: {  	s22 =	simm.s32 $0x1BFF;
	s21 =	sshll.u32 s7, $0x1;
	s4 =	sadd.s32 s5, s19  }
0x9d: {  	s8 =	simm.s32 $0x0;
	s20 =	sshll.u32 s6, $0x1;
	s6 =	sadd.s32 s21, s4  }
0x9e: {  	[timem:s8], [sflag:s22] =	dma.local [hbm:s6], s20  }
0x9f: {  	_ =	swait.ge [sflag:s22], s20  }
0xa0: {  	s5 =	ssub.s32 $0x0, s20;
	[sflag:s22] =	ssyncset.done $0x0  }
0xa1: {  	[sflag:s22] =	ssyncadd.s32 s5;
	_ =	sdelay $0x1  }
0xa2: {  	s23 =	simm.s32 $0x1B8B  }
0xa3: {  	_ =	swait.ge [sflag:s23], $0x1  }
0xa4: {  	[sflag:s23] =	ssyncset.done $0x0  }
0xa5: {  	s25 =	simm.s32 $0x1B8E;
	s24 =	sld [smem:$0x3FFE];
	[sflag:s23] =	ssyncadd.s32 $0xFFFFFFFF  }
0xa6: {  	s26 =	simm.s32 $execute0_lowered;
	[smem:$0x3FD2] =	sst s25  }
0xa7: {  	s6 =	sshll.u32 s26, $0x1;
	_ =	strace $0x80000046;
	[dreg:$0x1] =	wrdreg $0xFFFFFFFF  }
0xa8: {  	s28 =	simm.s32 $_size_execute0_lowered;
	s4 =	sadd.s32 s4, s6;
	[dreg:$0x0] =	wrdreg $0x0  }
0xa9: {  	s6 =	sshll.u32 s28, $0x1;
	[dreg:$0x2] =	wrdreg s4  }
0xaa: {  	[dreg:$0x3] =	wrdreg s6  }
0xab: {  	[dreg:$0x4] =	wrdreg $0xC0  }
0xac: {  	_ =	task [dreg:s8], $0x5FFFF  }
0xad: {  	[dreg:$0x1] =	wrdreg $0xFFFFFFFF  }
0xae: {  	[dreg:$0x0] =	wrdreg $0x60  }
0xaf: {  	[dreg:$0x2] =	wrdreg s2  }
0xb0: {  	[dreg:$0x3] =	wrdreg s18  }
0xb1: {  	[dreg:$0x4] =	wrdreg s24  }
0xb2: {  	[dreg:$0x5] =	wrdreg $0x9  }
0xb3: {  	_ =	task.clear_ibuf [dreg:s8], $0x6FFFF;
	_ =	strace $0x90000046  }
0xb4: {  	s29 =	simm.s32 $0x9;
	_ =	strace $0x80000048  }
0xb5: {  	_ =	swait.ge [sflag:s29], $0x1  }
0xb6: {  	[sflag:s29] =	ssyncadd.s32 $0xFFFFFFFF  }
0xb7: {  	_ =	strace $0x90000048  }
0xb8: {  	_ =	sfence  }
0xb9: {  	s30 =	sld [smem:$0x0];
	_ =	sdelay $0x2  }
0xba: {  	s31 =	sshll.u32 s1, $0xD;
	s1 =	sshrl.u32 s1, $0x2  }
0xbb: {  	s3 =	sand.u32 $0x4000, s31;
	s1 =	sadd.s32 s1, s30  }
0xbc: {  	s0 =	sor.u32 s3, s0;
	s1 =	sshll.u32 s1, $0x11  }
0xbd: {  	s0 =	sor.u32 s1, s0  }
0xbe: {  	s0 =	sadd.s32 $0x8F2B, s0  }
0xbf: {  	[sflag:s0] =	ssyncadd.remote.s32 $0x1  }
0xc0: {  	_ =	sfence.sel $0xFFFF  }
0xc1: {  	[dreg:$0x0] =	wrdreg $0xFFFFFFFF;
	(pc) =	sbr.abs _section_cstart, $3  }
0xc2: {  	[dreg:$0x1] =	wrdreg $0xFFFFFFFF  }
0xc3: {  	_ =	task.clear_ibuf [dreg:s8], $0x2FFFF;
	_ =	strace $0x9FFFFFFF  }
0xc4: {  	(tm) =	ssettm $0x7FFFFFFF  }
0xc5: {  	_ =	shalt  }
tec
execute0_lowered:
.L_overlay_start_1:
0x0: {  	(tag) =	ssettag $0x1  }
0x1: {  	s0 =	rddreg [dreg:$0x0]  }
0x2: {  	s1 =	rddreg [dreg:$0x1]  }
0x3: {  	s3 =	rddreg [dreg:$0x2]  }
0x4: {  	s4 =	srdreg.scid;
	s5 =	stileid.u32;
	s2 =	simm.s32 $0x0  }
0x5: {  	s19 =	simm.s32 $0x8000;
	s20 =	simm.s32 $0x100;
	s28 =	simm.s32 $0x4000  }
0x6: {  	s29 =	simm.s32 $0xC000;
	s18 =	simm.s32 $0x1;
	s30 =	simm.s32 $0x2  }
0x7: {  	s4 =	sand.u32 $0x1, s4;
	s5 =	sshll.u32 s5, $0x1;
	[smem:$0x7FF] =	sst s2  }
0x8: {  	s12 =	sadd.s32 $0x1800, s3;
	s6 =	sadd.s32 $0x21C00, s3;
	s5 =	sor.u32 s4, s5  }
0x9: {  	_ =	strace $0x80000047;
	[dreg:$0x4] =	wrdreg s6;
	s4 =	ssub.s32 $0x2, s4  }
0xa: {  	s8 =	smul.u32 $0xC000, s5;
	s5 =	sshll.u32 s5, $0x6;
	s21 =	sshrl.u32 s4, $0x1  }
0xb: {  	s3 =	sadd.s32 s5, s3;
	s4 =	ssub.s32 s4, s21;
	s21 =	simm.s32 $0x400  }
0xc: {  	s22 =	sshrl.u32 s8, $0x3;
	s24 =	sadd.s32 $0x4000, s8;
	s25 =	sshrl.u32 s8, $0x5  }
0xd: {  	s11 =	sadd.s32 $0x8000, s8;
	s14 =	smax.u32 s4, $0x1;
	s23 =	sadd.s32 s0, s22  }
0xe: {  	s6 =	sadd.s32 s1, s22;
	s9 =	sshrl.u32 s24, $0x3;
	s5 =	sshrl.u32 s24, $0x5  }
0xf: {  	s13 =	sshrl.u32 s11, $0x3;
	s31 =	sshrl.u32 s11, $0x5;
	[dreg:$0x5] =	wrdreg s23  }
0x10: {  	[dreg:$0x6] =	wrdreg s6;
	s6 =	sadd.s32 s12, s25;
	s7 =	sadd.s32 s0, s9  }
0x11: {  	s26 =	sadd.s32 s1, s9;
	s9 =	sadd.s32 s12, s5;
	s10 =	sadd.s32 s0, s13  }
0x12: {  	v0 =	vlaneseq.u32;
	s11 =	sadd.s32 s1, s13;
	s12 =	sadd.s32 s12, s31;
	s13 =	sadd.s32 $0x21E00, s3  }
0x13: {  	v0 =	vmul.u32 $0x4, v0;
	s25 =	simm.s32 $0x10C00;
	s0 =	simm.s32 $0x4;
	[dreg:$0x7] =	wrdreg s7  }
0x14: {  	v4 =	vimm.f32 $0.0e+00;
	s1 =	simm.s32 $0x0;
	[dreg:$0x8] =	wrdreg s26;
	s15 =	sadd.s32 $0x20, s6  }
0x15: {  	v1 =	vor.u32 $0x1, v0;
	v2 =	vor.u32 $0x2, v0;
	v3 =	vor.u32 $0x3, v0;
	s16 =	sadd.s32 $0x40, s6;
	s17 =	sadd.s32 $0x60, s6;
	s26 =	simm.s32 $0x3  }
.LBB2_1:
0x16: {  	s3 =	rddreg [dreg:$0x4];
	s4 =	simm.s32 $0x12000  }
0x17: {  	[tilespmem:s4], [sflag:$0x3] =	stream.linear.gather [hbm4b:s3+s2], $0x400, $0x38;
	[tilespmem:$0x12600] =	vst v63  }
0x18: {  	s4 =	rddreg [dreg:$0x5]  }
0x19: {  	[tilespmem:s2], [sflag:$0x1] =	stream.linear.gather [hbm4b:s4+s2], $0x4000, $0x38;
	[tilespmem:$0x12600] =	vst v63  }
0x1a: {  	s5 =	rddreg [dreg:$0x6]  }
0x1b: {  	[tilespmem:s19], [sflag:$0x1] =	stream.linear.gather [hbm4b:s5+s2], $0x4000, $0x38;
	[tilespmem:$0x12600] =	vst v63  }
0x1c: {  	s7 =	simm.s32 $0x10000  }
0x1d: {  	[tilespmem:s7], [sflag:$0x1] =	stream.strided.gather [hbm4b:s6+s20], $0x400, s21, s20, $0x38;
	[tilespmem:$0x12600] =	vst v63  }
0x1e: {  	s8 =	simm.s32 $0x10400  }
0x1f: {  	[tilespmem:s8], [sflag:$0x1] =	stream.strided.gather [hbm4b:s15+s20], $0x400, s21, s20, $0x38;
	[tilespmem:$0x12600] =	vst v63  }
0x20: {  	s22 =	simm.s32 $0x10800  }
0x21: {  	[tilespmem:s22], [sflag:$0x1] =	stream.strided.gather [hbm4b:s16+s20], $0x400, s21, s20, $0x38;
	[tilespmem:$0x12600] =	vst v63  }
0x22: {  	_ = 	snop  }
0x23: {  	[tilespmem:s25], [sflag:$0x1] =	stream.strided.gather [hbm4b:s17+s20], $0x400, s21, s20, $0x38;
	[tilespmem:$0x12600] =	vst v63  }
0x24: {  	_ =	swait.ge [sflag:s26], $0x400  }
0x25: {  	[sflag:s26] =	ssyncset.done $0x0  }
0x26: {  	[sflag:s26] =	ssyncadd.s32 $0xFFFFFC00  }
0x27: {  	v7 =	vld [tilespmem:$0x12000]  }
0x28: {  	v5 =	vld [tilespmem:$0x12080]  }
0x29: {  	s23 =	rddreg [dreg:$0x7];
	v6 =	vld [tilespmem:$0x12100]  }
0x2a: {  	v8 =	vld [tilespmem:$0x12180];
	[tilespmem:s28], [sflag:$0x2] =	stream.linear.gather [hbm4b:s23+s2], $0x4000, $0x38  }
0x2b: {  	s24 =	rddreg [dreg:$0x8]  }
0x2c: {  	[tilespmem:s29], [sflag:$0x2] =	stream.linear.gather [hbm4b:s24+s2], $0x4000, $0x38;
	[tilespmem:$0x12600] =	vst v63  }
0x2d: {  	s4 =	simm.s32 $0x11000  }
0x2e: {  	[tilespmem:s4], [sflag:$0x2] =	stream.strided.gather [hbm4b:s9+s20], $0x400, s21, s20, $0x38;
	[tilespmem:$0x12600] =	vst v63  }
0x2f: {  	s5 =	sadd.s32 $0x20, s9;
	s7 =	simm.s32 $0x11400  }
0x30: {  	[tilespmem:s7], [sflag:$0x2] =	stream.strided.gather [hbm4b:s5+s20], $0x400, s21, s20, $0x38;
	[tilespmem:$0x12600] =	vst v63  }
0x31: {  	s8 =	sadd.s32 $0x40, s9;
	s22 =	simm.s32 $0x11800;
	s24 =	simm.s32 $0x0  }
0x32: {  	v9 =	vmov s24;
	[tilespmem:s22], [sflag:$0x2] =	stream.strided.gather [hbm4b:s8+s20], $0x400, s21, s20, $0x38;
	[tilespmem:$0x12600] =	vst v63  }
0x33: {  	s23 =	sadd.s32 $0x60, s9;
	v14 =	vshll.u32 v9, $0x9;
	v9 =	vshll.u32 v9, $0x7;
	s5 =	sand.u32 $0x1C0, s2;
	s7 =	simm.s32 $0x11C00  }
0x34: {  	v14 =	vand.u32 $0x3000, v14;
	v9 =	vand.u32 $0x380, v9;
	v10 =	vmov s5;
	[tilespmem:s7], [sflag:$0x2] =	stream.strided.gather [hbm4b:s23+s20], $0x400, s21, s20, $0x38;
	[tilespmem:$0x12600] =	vst v63  }
0x35: {  	v11 =	vor.u32 s5, v1;
	v12 =	vor.u32 s5, v2;
	v13 =	vor.u32 s5, v0;
	_ =	swait.ge [sflag:s18], $0x4000  }
0x36: {  	v15 =	vor.u32 s5, v3;
	v13 =	vand.u32 $0x7C, v13;
	v10 =	vshll.u32 v10, $0x3;
	[sflag:s18] =	ssyncset.done $0x0  }
0x37: {  	v11 =	vand.u32 $0x7D, v11;
	v12 =	vand.u32 $0x7E, v12;
	v13 =	vor.u32 v13, v14;
	[sflag:s18] =	ssyncadd.s32 $0xFFFFC000  }
0x38: {  	v10 =	vand.u32 $0xC00, v10;
	v11 =	vor.u32 v11, v14;
	v13 =	vor.u32 v9, v13;
	_ =	swait.ge [sflag:s18], $0x4000  }
0x39: {  	v12 =	vor.u32 v12, v14;
	v11 =	vor.u32 v9, v11;
	v13 =	vor.u32 v10, v13;
	[sflag:s18] =	ssyncset.done $0x0  }
0x3a: {  	v15 =	vand.u32 $0x7F, v15;
	v12 =	vor.u32 v9, v12;
	v16 =	vor.u32 v10, v11;
	[sflag:s18] =	ssyncadd.s32 $0xFFFFC000  }
0x3b: {  	v11 =	vor.u32 v15, v14;
	v12 =	vor.u32 v10, v12;
	_ =	swait.ge [sflag:s18], $0x1000  }
0x3c: {  	s31 =	simm.s32 $0x40;
	s8 =	sand.u32 $0x3000, s2;
	v9 =	vor.u32 v9, v11;
	[sflag:s18] =	ssyncset.done $0x0  }
0x3d: {  	s7 =	sand.u32 $0x1C0, s31;
	s23 =	sand.u32 $0x100, s2;
	v15 =	vor.u32 v10, v9;
	[sflag:s18] =	ssyncadd.s32 $0xFFFFF000  }
0x3e: {  	s5 =	simm.s32 $0x0;
	s22 =	simm.s32 $0x0;
	s3 =	sor.u32 s23, s8;
	v17 =	vor.u32 s7, v1;
	v18 =	vor.u32 s7, v2;
	v14 =	vld.idx.msk [tilespmem:v13+s19+$0x0], $0xffff  }
0x3f: {  	s24 =	sand.u32 $0x380, s22;
	v19 =	vor.u32 s7, v0;
	v11 =	vmov s5;
	s3 =	sshrl.u32 s3, $0x2;
	v21 =	vand.u32 $0x7D, v17;
	v22 =	vld.idx.msk [tilespmem:v16+s19+$0x0], $0xffff  }
0x40: {  	v18 =	vand.u32 $0x7E, v18;
	v19 =	vand.u32 $0x7C, v19;
	v9 =	vor.u32 s7, v3;
	s3 =	sor.u32 s24, s3;
	v23 =	vld.idx.msk [tilespmem:v12+s19+$0x0], $0xffff  }
0x41: {  	v10 =	vmov s7;
	v20 =	vshll.u32 v11, $0x9;
	v11 =	vshll.u32 v11, $0x7;
	v24 =	vld [tilespmem:s3+$0x10000]  }
0x42: {  	v9 =	vand.u32 $0x7F, v9;
	v20 =	vand.u32 $0x3000, v20;
	v25 =	vshll.u32 v10, $0x3;
	v17 =	vld.idx.msk [tilespmem:v15+s19+$0x0], $0xffff  }
0x43: {  	v10 =	vand.u32 $0x380, v11;
	v11 =	vor.u32 v9, v20;
	v9 =	vand.u32 $0xC00, v25;
	v13 =	vld.idx.msk [tilespmem:v13+s2+$0x0], $0xffff  }
0x44: {  	v21 =	vor.u32 v21, v20;
	v19 =	vor.u32 v19, v20;
	v12 =	vld.idx.msk [tilespmem:v12+s2+$0x0], $0xffff;
	v26 =	vadd.f32 v14, v8  }
0x45: {  	v25 =	vor.u32 v18, v20;
	v18 =	vor.u32 v10, v21;
	v20 =	vor.u32 v10, v19  }
0x46: {  	v27 =	vadd.f32 v22, v8;
	v28 =	vshrl.u32 v24, $0x18;
	(erf) = vrcp.f32 v26;
	v26 =	vld.idx.msk [tilespmem:v16+s2+$0x0], $0xffff  }
0x47: {  	v21 =	vshrl.u32 v24, $0x10;
	v16 =	vor.u32 v10, v25;
	v25 =	vadd.f32 v23, v8  }
0x48: {  	v13 =	vmul.f32 v13, v7;
	(erf) = vrcp.f32 v27;
	v27 =	vadd.f32 v17, v8  }
0x49: {  	v19 =	vand.u32 $0x1, v24;
	v12 =	vmul.f32 v12, v7;
	(erf) = vrcp.f32 v25  }
0x4a: {  	v15 =	vld.idx.msk [tilespmem:v15+s2+$0x0], $0xffff;
	v24 =	vshrl.u32 v24, $0x8;
	v29 =	vmul.f32 v22, v6;
	(erf) = vrcp.f32 v27  }
0x4b: {  	v13 =	vadd.f32 v13, v5;
	v27 =	vmul.f32 v14, v6;
	v26 =	vmul.f32 v26, v7  }
0x4c: {  	v19 =	vcvt.s32.f32 v19;
	v25 =	vand.u32 $0x1, v28;
	v28 =	vand.u32 $0x1, v24  }
0x4d: {  	v14 =	vcvt.s32.f32 v25;
	v13 =	vadd.f32 v27, v13;
	v27 =	vadd.f32 v26, v5  }
0x4e: {  	v24 =	vadd.f32 v12, v5;
	v25 =	vmul.f32 v23, v6;
	v22 =	vcvt.s32.f32 v28  }
0x4f: {  	s4 =	simm.s32 $0x0;
	v26 =	vmul.f32 v15, v7;
	v15 =	vimm.f32 $0.0e+00;
	v12 =	vpop (erf);
	v27 =	vadd.f32 v29, v27  }
0x50: {  	s22 =	simm.s32 $0x2;
	s5 =	simm.s32 $0x0;
	s3 =	simm.s32 $0x1;
	v23 =	vmul.f32 v12, v13;
	v13 =	vimm.f32 $0.0e+00;
	v12 =	vimm.f32 $0.0e+00  }
.LBB2_2:
0x51: {  	p0 =	sne.s32 s22, $0xFF;
	v24 =	vadd.f32 v25, v24;
	v25 =	vadd.f32 v26, v5;
	v17 =	vmul.f32 v17, v6;
	v26 =	vpop (erf)  }
0x52: {  	v21 =	vand.u32 $0x1, v21;
	v28 =	vmul.f32 v19, v23;
	v26 =	vmul.f32 v26, v27;
	v27 =	vpop (erf)  }
0x53: {  	v21 =	vcvt.s32.f32 v21;
	v24 =	vmul.f32 v27, v24;
	v17 =	vadd.f32 v17, v25  }
0x54: {  	v20 =	vor.u32 v9, v20;
	v23 =	vmul.f32 v28, v23;
	v25 =	vmul.f32 v22, v26;
	v27 =	vpop (erf)  }
0x55: {  	v13 =	vadd.f32 v19, v13;
	v19 =	vmul.f32 v21, v24;
	v17 =	vmul.f32 v27, v17  }
0x56: {  	v15 =	vadd.f32 v28, v15;
	v12 =	vadd.f32 v23, v12;
	v23 =	vmul.f32 v25, v26  }
0x57: {  	v18 =	vor.u32 v9, v18;
	v13 =	vadd.f32 v22, v13;
	v22 =	vmul.f32 v14, v17  }
0x58: {  	v15 =	vadd.f32 v25, v15;
	v12 =	vadd.f32 v23, v12;
	v23 =	vmul.f32 v19, v24  }
0x59: {  	v10 =	vor.u32 v10, v11;
	s4 =	sadd.s32 $0x100, s4;
	v11 =	vadd.f32 v21, v13;
	v24 =	vor.u32 v9, v16  }
0x5a: {  	s7 =	sshrl.u32 s22, $0x3;
	s31 =	sadd.s32 $0x40, s31;
	s5 =	sadd.s32 $0x800, s5;
	v15 =	vadd.f32 v19, v15;
	v16 =	vmul.f32 v22, v17;
	v12 =	vadd.f32 v23, v12  }
0x5b: {  	s23 =	sand.u32 $0x3000, s5;
	s24 =	sand.u32 $0x100, s4;
	v13 =	vadd.f32 v14, v11;
	v19 =	vor.u32 v9, v10;
	v17 =	vmov s7;
	s7 =	sand.u32 $0x1C0, s31;
	v23 =	vld.idx.msk [tilespmem:v20+s19+$0x0], $0xffff  }
0x5c: {  	s8 =	sshll.u32 s3, $0x2;
	s3 =	smov.u32 s22;
	s23 =	sor.u32 s24, s23;
	v9 =	vor.u32 s7, v3;
	v15 =	vadd.f32 v22, v15;
	v12 =	vadd.f32 v16, v12  }
0x5d: {  	s8 =	sand.u32 $0x380, s8;
	s23 =	sshrl.u32 s23, $0x2;
	v10 =	vmov s7;
	v11 =	vor.u32 s7, v1;
	v14 =	vor.u32 s7, v2;
	v22 =	vld.idx.msk [tilespmem:v18+s19+$0x0], $0xffff  }
0x5e: {  	v21 =	vshll.u32 v17, $0x9;
	v25 =	vshll.u32 v17, $0x7;
	v16 =	vor.u32 s7, v0;
	s7 =	sor.u32 s8, s23;
	v26 =	vld.idx.msk [tilespmem:v24+s19+$0x0], $0xffff  }
0x5f: {  	v27 =	vand.u32 $0x7D, v11;
	v14 =	vand.u32 $0x7E, v14;
	v9 =	vand.u32 $0x7F, v9;
	v28 =	vld [tilespmem:s7+$0x10000]  }
0x60: {  	v21 =	vand.u32 $0x3000, v21;
	v29 =	vshll.u32 v10, $0x3;
	v16 =	vand.u32 $0x7C, v16;
	v17 =	vld.idx.msk [tilespmem:v19+s19+$0x0], $0xffff  }
0x61: {  	v10 =	vand.u32 $0x380, v25;
	v11 =	vor.u32 v9, v21;
	v25 =	vld.idx.msk [tilespmem:v20+s2+$0x0], $0xffff;
	v20 =	vadd.f32 v23, v8  }
0x62: {  	v9 =	vand.u32 $0xC00, v29;
	v27 =	vor.u32 v27, v21;
	v14 =	vor.u32 v14, v21  }
0x63: {  	v21 =	vor.u32 v16, v21;
	v30 =	vadd.f32 v22, v8;
	v29 =	vld.idx.msk [tilespmem:v18+s2+$0x0], $0xffff;
	(erf) = vrcp.f32 v20  }
0x64: {  	v16 =	vor.u32 v10, v14;
	v18 =	vor.u32 v10, v27;
	v14 =	vld.idx.msk [tilespmem:v24+s2+$0x0], $0xffff;
	v24 =	vadd.f32 v26, v8  }
0x65: {  	v20 =	vor.u32 v10, v21;
	v27 =	vshrl.u32 v28, $0x18;
	(erf) = vrcp.f32 v30  }
0x66: {  	v21 =	vshrl.u32 v28, $0x10;
	v31 =	vadd.f32 v17, v8;
	v30 =	vld.idx.msk [tilespmem:v19+s2+$0x0], $0xffff;
	(erf) = vrcp.f32 v24  }
0x67: {  	v19 =	vand.u32 $0x1, v28;
	v24 =	vmul.f32 v25, v7;
	v25 =	vshrl.u32 v28, $0x8  }
0x68: {  	v27 =	vand.u32 $0x1, v27;
	v19 =	vcvt.s32.f32 v19;
	(erf) = vrcp.f32 v31  }
.Ltmp0:
0x69: {  	v23 =	vmul.f32 v23, v6;
	v24 =	vadd.f32 v24, v5;
	v28 =	vmul.f32 v29, v7;
	(pc) =	sbr.rel @p0 .LBB2_2-.Ltmp0, $4  }
0x6a: {  	v29 =	vand.u32 $0x1, v25;
	v25 =	vmul.f32 v14, v7;
	v14 =	vcvt.s32.f32 v27  }
0x6b: {  	v23 =	vadd.f32 v23, v24;
	v27 =	vadd.f32 v28, v5;
	v28 =	vmul.f32 v22, v6  }
0x6c: {  	v24 =	vadd.f32 v25, v5;
	v25 =	vmul.f32 v26, v6;
	v26 =	vmul.f32 v30, v7;
	v22 =	vpop (erf)  }
0x6d: {  	s22 =	sadd.s32 $0x1, s22;
	v27 =	vadd.f32 v28, v27;
	v23 =	vmul.f32 v22, v23;
	v22 =	vcvt.s32.f32 v29  }
0x6e: {  	v20 =	vor.u32 v9, v20  }
0x6f: {  	v24 =	vadd.f32 v25, v24;
	v25 =	vadd.f32 v26, v5;
	v18 =	vor.u32 v9, v18  }
0x70: {  	v17 =	vmul.f32 v17, v6;
	v26 =	vpop (erf);
	v16 =	vor.u32 v9, v16;
	v21 =	vand.u32 $0x1, v21  }
0x71: {  	v10 =	vor.u32 v10, v11;
	s4 =	sadd.s32 $0x100, s4;
	s5 =	sadd.s32 $0x800, s5;
	v28 =	vmul.f32 v19, v23;
	v26 =	vmul.f32 v26, v27;
	v27 =	vpop (erf)  }
0x72: {  	v11 =	vcvt.s32.f32 v21;
	s5 =	sand.u32 $0x3000, s5;
	s4 =	sand.u32 $0x100, s4;
	v9 =	vor.u32 v9, v10;
	v21 =	vmul.f32 v27, v24  }
0x73: {  	s3 =	sshll.u32 s3, $0x2;
	v10 =	vadd.f32 v17, v25;
	s4 =	sor.u32 s4, s5;
	v17 =	vmul.f32 v28, v23;
	v23 =	vmul.f32 v22, v26;
	v24 =	vld.idx.msk [tilespmem:v20+s19+$0x0], $0xffff  }
0x74: {  	v13 =	vadd.f32 v19, v13;
	s3 =	sand.u32 $0x380, s3;
	s4 =	sshrl.u32 s4, $0x2;
	v19 =	vld.idx.msk [tilespmem:v18+s19+$0x0], $0xffff  }
0x75: {  	v15 =	vadd.f32 v28, v15;
	s3 =	sor.u32 s3, s4;
	v12 =	vadd.f32 v17, v12;
	v17 =	vmul.f32 v23, v26;
	v26 =	vld.idx.msk [tilespmem:v16+s19+$0x0], $0xffff  }
0x76: {  	v13 =	vadd.f32 v22, v13;
	v25 =	vpop (erf);
	v27 =	vmul.f32 v11, v21;
	v22 =	vld [tilespmem:s3+$0x10000]  }
0x77: {  	v10 =	vmul.f32 v25, v10;
	v15 =	vadd.f32 v23, v15;
	v16 =	vld.idx.msk [tilespmem:v16+s2+$0x0], $0xffff  }
0x78: {  	v11 =	vadd.f32 v11, v13;
	v12 =	vadd.f32 v17, v12;
	v17 =	vmul.f32 v27, v21;
	v21 =	vld.idx.msk [tilespmem:v9+s19+$0x0], $0xffff  }
0x79: {  	v25 =	vmul.f32 v14, v10;
	v13 =	vadd.f32 v27, v15;
	v15 =	vld.idx.msk [tilespmem:v20+s2+$0x0], $0xffff;
	v23 =	vadd.f32 v24, v8  }
0x7a: {  	v11 =	vadd.f32 v14, v11;
	v14 =	vld.idx.msk [tilespmem:v18+s2+$0x0], $0xffff;
	v12 =	vadd.f32 v17, v12  }
0x7b: {  	v9 =	vld.idx.msk [tilespmem:v9+s2+$0x0], $0xffff;
	v10 =	vmul.f32 v25, v10;
	v17 =	vadd.f32 v19, v8;
	(erf) = vrcp.f32 v23  }
0x7c: {  	v18 =	vadd.f32 v26, v8;
	v20 =	vshrl.u32 v22, $0x18;
	v16 =	vmul.f32 v16, v7  }
0x7d: {  	v19 =	vmul.f32 v19, v6;
	v20 =	vand.u32 $0x1, v20;
	(erf) = vrcp.f32 v17  }
0x7e: {  	v23 =	vadd.f32 v21, v8;
	v15 =	vmul.f32 v15, v7;
	(erf) = vrcp.f32 v18  }
0x7f: {  	v14 =	vmul.f32 v14, v7;
	v20 =	vcvt.s32.f32 v20;
	v16 =	vadd.f32 v16, v5  }
0x80: {  	v9 =	vmul.f32 v9, v7;
	v17 =	vshrl.u32 v22, $0x10;
	(erf) = vrcp.f32 v23  }
0x81: {  	v18 =	vand.u32 $0x1, v22;
	v15 =	vadd.f32 v15, v5;
	v23 =	vmul.f32 v24, v6  }
0x82: {  	v22 =	vshrl.u32 v22, $0x8;
	v14 =	vadd.f32 v14, v5;
	v9 =	vadd.f32 v9, v5  }
0x83: {  	v17 =	vand.u32 $0x1, v17;
	v18 =	vcvt.s32.f32 v18;
	v15 =	vadd.f32 v23, v15  }
0x84: {  	s31 =	simm.s32 $0x0;
	v22 =	vand.u32 $0x1, v22;
	v17 =	vcvt.s32.f32 v17;
	v23 =	vmul.f32 v26, v6;
	v24 =	vpop (erf)  }
0x85: {  	[tilespmem:s31], [sflag:$0x1] =	stream.linear.gather [hbm4b:s10+s31], $0x4000, $0x38;
	v14 =	vadd.f32 v19, v14;
	v19 =	vmul.f32 v21, v6;
	v15 =	vmul.f32 v24, v15;
	[tilespmem:$0x12600] =	vst v63  }
0x86: {  	v22 =	vcvt.s32.f32 v22;
	v11 =	vadd.f32 v18, v11;
	v16 =	vadd.f32 v23, v16;
	v21 =	vpop (erf)  }
0x87: {  	v13 =	vadd.f32 v25, v13;
	[tilespmem:s19], [sflag:$0x1] =	stream.linear.gather [hbm4b:s11+s31], $0x4000, $0x38;
	v14 =	vmul.f32 v21, v14;
	v21 =	vpop (erf);
	v23 =	vmul.f32 v18, v15;
	[tilespmem:$0x12600] =	vst v63  }
0x88: {  	s7 =	simm.s32 $0x10000;
	v9 =	vadd.f32 v19, v9;
	v11 =	vadd.f32 v22, v11;
	v16 =	vmul.f32 v21, v16  }
0x89: {  	v10 =	vadd.f32 v10, v12;
	[tilespmem:s7], [sflag:$0x1] =	stream.strided.gather [hbm4b:s12+s20], $0x400, s21, s20, $0x38;
	v19 =	vpop (erf);
	v12 =	vmul.f32 v23, v15;
	v15 =	vmul.f32 v22, v14;
	[tilespmem:$0x12600] =	vst v63  }
0x8a: {  	s8 =	sadd.s32 $0x20, s12;
	s22 =	simm.s32 $0x10400;
	s7 =	sand.u32 $0x1C0, s31;
	v11 =	vadd.f32 v17, v11;
	v9 =	vmul.f32 v19, v9;
	v13 =	vadd.f32 v23, v13  }
0x8b: {  	[tilespmem:s22], [sflag:$0x1] =	stream.strided.gather [hbm4b:s8+s20], $0x400, s21, s20, $0x38;
	v18 =	vmul.f32 v17, v16;
	v10 =	vadd.f32 v12, v10;
	v12 =	vmul.f32 v15, v14;
	[tilespmem:$0x12600] =	vst v63  }
0x8c: {  	s23 =	sadd.s32 $0x40, s12;
	s24 =	simm.s32 $0x10800;
	v17 =	vor.u32 s7, v2;
	v14 =	vmul.f32 v20, v9;
	v13 =	vadd.f32 v15, v13  }
0x8d: {  	[tilespmem:s24], [sflag:$0x1] =	stream.strided.gather [hbm4b:s23+s20], $0x400, s21, s20, $0x38;
	v15 =	vmov s7;
	v10 =	vadd.f32 v12, v10;
	v12 =	vmul.f32 v18, v16;
	[tilespmem:$0x12600] =	vst v63  }
0x8e: {  	s5 =	simm.s32 $0x0;
	s4 =	sadd.s32 $0x60, s12;
	v17 =	vand.u32 $0x7E, v17;
	v15 =	vshll.u32 v15, $0x3;
	v13 =	vadd.f32 v18, v13  }
0x8f: {  	[tilespmem:s25], [sflag:$0x1] =	stream.strided.gather [hbm4b:s4+s20], $0x400, s21, s20, $0x38;
	v10 =	vadd.f32 v12, v10;
	v12 =	vmul.f32 v14, v9;
	v9 =	vmov s5;
	[tilespmem:$0x12600] =	vst v63  }
0x90: {  	_ =	swait.ge [sflag:s30], $0x4000;
	v16 =	vor.u32 s7, v1;
	v18 =	vor.u32 s7, v0;
	v19 =	vshll.u32 v9, $0x9  }
0x91: {  	[sflag:s30] =	ssyncset.done $0x0;
	v18 =	vand.u32 $0x7C, v18;
	v9 =	vshll.u32 v9, $0x7;
	v19 =	vand.u32 $0x3000, v19  }
0x92: {  	[sflag:s30] =	ssyncadd.s32 $0xFFFFC000;
	v16 =	vand.u32 $0x7D, v16;
	v21 =	vand.u32 $0x380, v9;
	v9 =	vor.u32 v18, v19  }
0x93: {  	_ =	swait.ge [sflag:s30], $0x4000;
	v15 =	vand.u32 $0xC00, v15;
	v16 =	vor.u32 v16, v19;
	v9 =	vor.u32 v21, v9  }
0x94: {  	s3 =	simm.s32 $0x40;
	[sflag:s30] =	ssyncset.done $0x0;
	v17 =	vor.u32 v17, v19;
	v16 =	vor.u32 v21, v16;
	v18 =	vor.u32 v15, v9  }
0x95: {  	s8 =	simm.s32 $0x0;
	s22 =	sand.u32 $0x1C0, s3;
	[sflag:s30] =	ssyncadd.s32 $0xFFFFC000;
	v17 =	vor.u32 v21, v17;
	v9 =	vor.u32 s7, v3;
	v16 =	vor.u32 v15, v16  }
0x96: {  	s23 =	sand.u32 $0x3000, s31;
	_ =	swait.ge [sflag:s30], $0x1000;
	s7 =	sand.u32 $0x100, s31;
	v22 =	vand.u32 $0x7F, v9;
	v9 =	vadd.f32 v20, v11;
	v20 =	vor.u32 v15, v17  }
0x97: {  	[sflag:s30] =	ssyncset.done $0x0;
	v11 =	vadd.f32 v14, v13;
	v13 =	vmov s8;
	s8 =	simm.s32 $0x0;
	s4 =	sor.u32 s7, s23;
	v19 =	vor.u32 v22, v19  }
0x98: {  	[sflag:s30] =	ssyncadd.s32 $0xFFFFF000;
	v10 =	vadd.f32 v12, v10;
	s24 =	sand.u32 $0x380, s8;
	s4 =	sshrl.u32 s4, $0x2;
	v12 =	vor.u32 v21, v19  }
0x99: {  	v14 =	vmov s22;
	s4 =	sor.u32 s24, s4;
	v15 =	vor.u32 v15, v12;
	v22 =	vld.idx.msk [tilespmem:v18+s29+$0x0], $0xffff  }
0x9a: {  	v17 =	vor.u32 s22, v1;
	v24 =	vshll.u32 v13, $0x9;
	v13 =	vshll.u32 v13, $0x7;
	v27 =	vld [tilespmem:s4+$0x11000]  }
0x9b: {  	v26 =	vand.u32 $0x7D, v17;
	v28 =	vshll.u32 v14, $0x3;
	v19 =	vor.u32 s22, v2;
	v23 =	vld.idx.msk [tilespmem:v16+s29+$0x0], $0xffff  }
0x9c: {  	v21 =	vor.u32 s22, v0;
	v24 =	vand.u32 $0x3000, v24;
	v13 =	vand.u32 $0x380, v13;
	v25 =	vld.idx.msk [tilespmem:v20+s29+$0x0], $0xffff  }
0x9d: {  	v12 =	vor.u32 s22, v3;
	v19 =	vand.u32 $0x7E, v19;
	v21 =	vand.u32 $0x7C, v21;
	v30 =	vld.idx.msk [tilespmem:v18+s28+$0x0], $0xffff  }
0x9e: {  	v12 =	vand.u32 $0x7F, v12;
	v18 =	vor.u32 v26, v24;
	v17 =	vld.idx.msk [tilespmem:v15+s29+$0x0], $0xffff;
	v29 =	vadd.f32 v22, v8  }
0x9f: {  	v19 =	vor.u32 v19, v24;
	v21 =	vor.u32 v21, v24;
	v26 =	vld.idx.msk [tilespmem:v16+s28+$0x0], $0xffff;
	v14 =	vor.u32 v12, v24  }
0xa0: {  	v12 =	vand.u32 $0xC00, v28;
	v28 =	vld.idx.msk [tilespmem:v20+s28+$0x0], $0xffff;
	v24 =	vadd.f32 v23, v8;
	(erf) = vrcp.f32 v29  }
0xa1: {  	v18 =	vor.u32 v13, v18;
	v16 =	vor.u32 v13, v19;
	v19 =	vadd.f32 v25, v8  }
0xa2: {  	v20 =	vor.u32 v13, v21;
	v30 =	vmul.f32 v30, v7;
	(erf) = vrcp.f32 v24  }
0xa3: {  	v22 =	vmul.f32 v22, v6;
	v24 =	vadd.f32 v17, v8;
	(erf) = vrcp.f32 v19  }
0xa4: {  	v21 =	vshrl.u32 v27, $0x10;
	v31 =	vld.idx.msk [tilespmem:v15+s28+$0x0], $0xffff;
	v26 =	vmul.f32 v26, v7;
	v63 =	vmul.f32 v23, v6  }
0xa5: {  	v15 =	vand.u32 $0x1, v27;
	v28 =	vmul.f32 v28, v7;
	(erf) = vrcp.f32 v24  }
0xa6: {  	v29 =	vshrl.u32 v27, $0x18;
	v27 =	vshrl.u32 v27, $0x8;
	v24 =	vadd.f32 v30, v5  }
0xa7: {  	v25 =	vmul.f32 v25, v6;
	v27 =	vand.u32 $0x1, v27;
	v19 =	vcvt.s32.f32 v15  }
0xa8: {  	v15 =	vand.u32 $0x1, v29;
	v29 =	vadd.f32 v26, v5;
	v22 =	vadd.f32 v22, v24  }
0xa9: {  	v26 =	vmul.f32 v31, v7;
	v15 =	vcvt.s32.f32 v15;
	v24 =	vadd.f32 v28, v5;
	v23 =	vpop (erf)  }
0xaa: {  	s5 =	simm.s32 $0x0;
	s4 =	simm.s32 $0x1;
	s22 =	simm.s32 $0x2;
	v23 =	vmul.f32 v23, v22;
	v22 =	vcvt.s32.f32 v27;
	v27 =	vadd.f32 v63, v29  }
.LBB2_4:
0xab: {  	p0 =	sne.s32 s22, $0xFF;
	v24 =	vadd.f32 v25, v24;
	v25 =	vadd.f32 v26, v5;
	v17 =	vmul.f32 v17, v6;
	v26 =	vpop (erf)  }
0xac: {  	v21 =	vand.u32 $0x1, v21;
	v28 =	vmul.f32 v19, v23;
	v26 =	vmul.f32 v26, v27;
	v27 =	vpop (erf)  }
0xad: {  	v21 =	vcvt.s32.f32 v21;
	v24 =	vmul.f32 v27, v24;
	v17 =	vadd.f32 v17, v25  }
0xae: {  	v20 =	vor.u32 v12, v20;
	v23 =	vmul.f32 v28, v23;
	v25 =	vmul.f32 v22, v26;
	v27 =	vpop (erf)  }
0xaf: {  	v9 =	vadd.f32 v19, v9;
	v19 =	vmul.f32 v21, v24;
	v17 =	vmul.f32 v27, v17  }
0xb0: {  	v11 =	vadd.f32 v28, v11;
	v10 =	vadd.f32 v23, v10;
	v23 =	vmul.f32 v25, v26  }
0xb1: {  	v18 =	vor.u32 v12, v18;
	v9 =	vadd.f32 v22, v9;
	v22 =	vmul.f32 v15, v17  }
0xb2: {  	v11 =	vadd.f32 v25, v11;
	v10 =	vadd.f32 v23, v10;
	v23 =	vmul.f32 v19, v24  }
0xb3: {  	v13 =	vor.u32 v13, v14;
	s31 =	sadd.s32 $0x100, s31;
	v9 =	vadd.f32 v21, v9;
	v24 =	vor.u32 v12, v16  }
0xb4: {  	s7 =	sshrl.u32 s22, $0x3;
	s3 =	sadd.s32 $0x40, s3;
	s5 =	sadd.s32 $0x800, s5;
	v11 =	vadd.f32 v19, v11;
	v14 =	vmul.f32 v22, v17;
	v10 =	vadd.f32 v23, v10  }
0xb5: {  	s8 =	sand.u32 $0x3000, s5;
	s23 =	sand.u32 $0x100, s31;
	v9 =	vadd.f32 v15, v9;
	v16 =	vmov s7;
	s7 =	sand.u32 $0x1C0, s3;
	v19 =	vor.u32 v12, v13;
	v23 =	vld.idx.msk [tilespmem:v20+s29+$0x0], $0xffff  }
0xb6: {  	s24 =	sshll.u32 s4, $0x2;
	s4 =	smov.u32 s22;
	s8 =	sor.u32 s23, s8;
	v12 =	vor.u32 s7, v3;
	v11 =	vadd.f32 v22, v11;
	v10 =	vadd.f32 v14, v10  }
0xb7: {  	s23 =	sand.u32 $0x380, s24;
	s8 =	sshrl.u32 s8, $0x2;
	v13 =	vmov s7;
	v15 =	vor.u32 s7, v2;
	v14 =	vor.u32 s7, v1;
	v22 =	vld.idx.msk [tilespmem:v18+s29+$0x0], $0xffff  }
0xb8: {  	v17 =	vor.u32 s7, v0;
	v21 =	vshll.u32 v16, $0x9;
	v16 =	vshll.u32 v16, $0x7;
	s7 =	sor.u32 s23, s8;
	v25 =	vld.idx.msk [tilespmem:v24+s29+$0x0], $0xffff  }
0xb9: {  	v15 =	vand.u32 $0x7E, v15;
	v12 =	vand.u32 $0x7F, v12;
	v26 =	vand.u32 $0x7D, v14;
	v27 =	vld [tilespmem:s7+$0x11000]  }
0xba: {  	v28 =	vand.u32 $0x7C, v17;
	v21 =	vand.u32 $0x3000, v21;
	v29 =	vshll.u32 v13, $0x3;
	v17 =	vld.idx.msk [tilespmem:v19+s29+$0x0], $0xffff  }
0xbb: {  	v13 =	vand.u32 $0x380, v16;
	v14 =	vor.u32 v12, v21;
	v16 =	vadd.f32 v23, v8;
	v30 =	vld.idx.msk [tilespmem:v20+s28+$0x0], $0xffff  }
0xbc: {  	v15 =	vor.u32 v15, v21;
	v12 =	vand.u32 $0xC00, v29;
	v20 =	vor.u32 v26, v21  }
0xbd: {  	v21 =	vor.u32 v28, v21;
	v28 =	vadd.f32 v22, v8;
	v26 =	vld.idx.msk [tilespmem:v18+s28+$0x0], $0xffff;
	(erf) = vrcp.f32 v16  }
0xbe: {  	v18 =	vor.u32 v13, v20;
	v16 =	vor.u32 v13, v15;
	v15 =	vld.idx.msk [tilespmem:v24+s28+$0x0], $0xffff;
	v24 =	vadd.f32 v25, v8  }
0xbf: {  	v20 =	vor.u32 v13, v21;
	v29 =	vshrl.u32 v27, $0x18;
	(erf) = vrcp.f32 v28  }
0xc0: {  	v21 =	vshrl.u32 v27, $0x10;
	v31 =	vadd.f32 v17, v8;
	v28 =	vld.idx.msk [tilespmem:v19+s28+$0x0], $0xffff;
	(erf) = vrcp.f32 v24  }
0xc1: {  	v19 =	vand.u32 $0x1, v27;
	v24 =	vmul.f32 v30, v7;
	v27 =	vshrl.u32 v27, $0x8  }
0xc2: {  	v29 =	vand.u32 $0x1, v29;
	v19 =	vcvt.s32.f32 v19;
	(erf) = vrcp.f32 v31  }
.Ltmp1:
0xc3: {  	v23 =	vmul.f32 v23, v6;
	v24 =	vadd.f32 v24, v5;
	v26 =	vmul.f32 v26, v7;
	(pc) =	sbr.rel @p0 .LBB2_4-.Ltmp1, $4  }
0xc4: {  	v27 =	vand.u32 $0x1, v27;
	v30 =	vmul.f32 v15, v7;
	v15 =	vcvt.s32.f32 v29  }
0xc5: {  	v31 =	vmul.f32 v22, v6;
	v23 =	vadd.f32 v23, v24;
	v29 =	vadd.f32 v26, v5  }
0xc6: {  	v25 =	vmul.f32 v25, v6;
	v24 =	vadd.f32 v30, v5;
	v26 =	vmul.f32 v28, v7;
	v22 =	vpop (erf)  }
0xc7: {  	s22 =	sadd.s32 $0x1, s22;
	v23 =	vmul.f32 v22, v23;
	v22 =	vcvt.s32.f32 v27;
	v27 =	vadd.f32 v31, v29  }
0xc8: {  	v20 =	vor.u32 v12, v20;
	v24 =	vadd.f32 v25, v24  }
0xc9: {  	v25 =	vadd.f32 v26, v5;
	v18 =	vor.u32 v12, v18;
	v17 =	vmul.f32 v17, v6  }
0xca: {  	v26 =	vpop (erf);
	v16 =	vor.u32 v12, v16;
	v21 =	vand.u32 $0x1, v21;
	v13 =	vor.u32 v13, v14  }
0xcb: {  	s3 =	sadd.s32 $0x100, s31;
	s5 =	sadd.s32 $0x800, s5;
	v9 =	vadd.f32 v19, v9;
	v28 =	vmul.f32 v19, v23;
	v26 =	vmul.f32 v26, v27;
	v27 =	vpop (erf)  }
0xcc: {  	v14 =	vcvt.s32.f32 v21;
	s5 =	sand.u32 $0x3000, s5;
	s3 =	sand.u32 $0x100, s3;
	v12 =	vor.u32 v12, v13;
	v21 =	vmul.f32 v27, v24  }
0xcd: {  	s4 =	sshll.u32 s4, $0x2;
	v13 =	vadd.f32 v17, v25;
	s3 =	sor.u32 s3, s5;
	v17 =	vmul.f32 v28, v23;
	v23 =	vmul.f32 v22, v26;
	v24 =	vld.idx.msk [tilespmem:v20+s29+$0x0], $0xffff  }
0xce: {  	s4 =	sand.u32 $0x380, s4;
	v9 =	vadd.f32 v22, v9;
	s3 =	sshrl.u32 s3, $0x2;
	v19 =	vld.idx.msk [tilespmem:v18+s29+$0x0], $0xffff  }
0xcf: {  	v11 =	vadd.f32 v28, v11;
	s3 =	sor.u32 s4, s3;
	v10 =	vadd.f32 v17, v10;
	v17 =	vmul.f32 v23, v26;
	v26 =	vld.idx.msk [tilespmem:v16+s29+$0x0], $0xffff  }
0xd0: {  	v25 =	vpop (erf);
	v27 =	vmul.f32 v14, v21;
	v22 =	vld [tilespmem:s3+$0x11000]  }
0xd1: {  	v9 =	vadd.f32 v14, v9;
	v13 =	vmul.f32 v25, v13;
	v11 =	vadd.f32 v23, v11;
	v14 =	vld.idx.msk [tilespmem:v20+s28+$0x0], $0xffff  }
0xd2: {  	v16 =	vld.idx.msk [tilespmem:v16+s28+$0x0], $0xffff;
	v10 =	vadd.f32 v17, v10;
	v17 =	vmul.f32 v27, v21;
	v23 =	vadd.f32 v24, v8  }
0xd3: {  	v9 =	vadd.f32 v15, v9;
	v21 =	vld.idx.msk [tilespmem:v12+s29+$0x0], $0xffff;
	v25 =	vmul.f32 v15, v13;
	v11 =	vadd.f32 v27, v11  }
0xd4: {  	v15 =	vld.idx.msk [tilespmem:v18+s28+$0x0], $0xffff;
	v10 =	vadd.f32 v17, v10;
	v17 =	vadd.f32 v19, v8;
	(erf) = vrcp.f32 v23  }
0xd5: {  	v13 =	vmul.f32 v25, v13;
	v18 =	vadd.f32 v26, v8  }
0xd6: {  	v12 =	vld.idx.msk [tilespmem:v12+s28+$0x0], $0xffff;
	v11 =	vadd.f32 v25, v11;
	v14 =	vmul.f32 v14, v7;
	(erf) = vrcp.f32 v17  }
0xd7: {  	v20 =	vshrl.u32 v22, $0x18;
	v16 =	vmul.f32 v16, v7;
	(erf) = vrcp.f32 v18  }
0xd8: {  	v19 =	vmul.f32 v19, v6;
	v20 =	vand.u32 $0x1, v20;
	v23 =	vadd.f32 v21, v8  }
0xd9: {  	v10 =	vadd.f32 v13, v10;
	v14 =	vadd.f32 v14, v5;
	v15 =	vmul.f32 v15, v7  }
0xda: {  	v16 =	vadd.f32 v16, v5;
	(erf) = vrcp.f32 v23;
	v23 =	vmul.f32 v24, v6  }
0xdb: {  	v12 =	vmul.f32 v12, v7;
	v17 =	vshrl.u32 v22, $0x10;
	v18 =	vand.u32 $0x1, v22  }
0xdc: {  	v22 =	vshrl.u32 v22, $0x8;
	v15 =	vadd.f32 v15, v5;
	v14 =	vadd.f32 v23, v14  }
0xdd: {  	v12 =	vadd.f32 v12, v5;
	v18 =	vcvt.s32.f32 v18;
	v23 =	vmul.f32 v26, v6;
	v24 =	vpop (erf)  }
0xde: {  	v22 =	vand.u32 $0x1, v22;
	v15 =	vadd.f32 v19, v15;
	v14 =	vmul.f32 v24, v14  }
0xdf: {  	v22 =	vcvt.s32.f32 v22;
	v19 =	vmul.f32 v21, v6;
	v16 =	vadd.f32 v23, v16;
	v21 =	vpop (erf)  }
0xe0: {  	v17 =	vand.u32 $0x1, v17;
	v15 =	vmul.f32 v21, v15;
	v21 =	vpop (erf);
	v23 =	vmul.f32 v18, v14  }
0xe1: {  	v17 =	vcvt.s32.f32 v17;
	v9 =	vadd.f32 v18, v9;
	v16 =	vmul.f32 v21, v16  }
0xe2: {  	v12 =	vadd.f32 v19, v12;
	v13 =	vmul.f32 v23, v14;
	v14 =	vmul.f32 v22, v15  }
0xe3: {  	s31 =	simm.s32 $0x0;
	v20 =	vcvt.s32.f32 v20;
	v9 =	vadd.f32 v22, v9;
	v11 =	vadd.f32 v23, v11  }
0xe4: {  	s7 =	sand.u32 $0x1C0, s31;
	v18 =	vmul.f32 v17, v16;
	v10 =	vadd.f32 v13, v10;
	v13 =	vmul.f32 v14, v15  }
0xe5: {  	v9 =	vadd.f32 v17, v9;
	v17 =	vor.u32 s7, v2;
	v11 =	vadd.f32 v14, v11  }
0xe6: {  	v19 =	vpop (erf);
	v14 =	vmov s7;
	v10 =	vadd.f32 v13, v10;
	v13 =	vmul.f32 v18, v16  }
0xe7: {  	s5 =	simm.s32 $0x0;
	v12 =	vmul.f32 v19, v12;
	v17 =	vand.u32 $0x7E, v17;
	v14 =	vshll.u32 v14, $0x3  }
0xe8: {  	v11 =	vadd.f32 v18, v11;
	v13 =	vadd.f32 v13, v10;
	v10 =	vmov s5  }
0xe9: {  	_ =	swait.ge [sflag:s18], $0x4000;
	v16 =	vor.u32 s7, v1;
	v18 =	vor.u32 s7, v0;
	v19 =	vshll.u32 v10, $0x9  }
0xea: {  	[sflag:s18] =	ssyncset.done $0x0;
	v18 =	vand.u32 $0x7C, v18;
	v10 =	vshll.u32 v10, $0x7;
	v19 =	vand.u32 $0x3000, v19  }
0xeb: {  	[sflag:s18] =	ssyncadd.s32 $0xFFFFC000;
	v16 =	vand.u32 $0x7D, v16;
	v21 =	vand.u32 $0x380, v10;
	v10 =	vor.u32 v18, v19  }
0xec: {  	_ =	swait.ge [sflag:s18], $0x4000;
	v14 =	vand.u32 $0xC00, v14;
	v16 =	vor.u32 v16, v19;
	v10 =	vor.u32 v21, v10  }
0xed: {  	v15 =	vmul.f32 v20, v12;
	[sflag:s18] =	ssyncset.done $0x0;
	v16 =	vor.u32 v21, v16;
	v22 =	vor.u32 v14, v10  }
0xee: {  	s8 =	simm.s32 $0x0;
	[sflag:s18] =	ssyncadd.s32 $0xFFFFC000;
	v17 =	vor.u32 v17, v19;
	v10 =	vor.u32 s7, v3;
	v16 =	vor.u32 v14, v16  }
0xef: {  	s23 =	sand.u32 $0x3000, s31;
	s3 =	simm.s32 $0x40;
	v12 =	vmul.f32 v15, v12;
	_ =	swait.ge [sflag:s18], $0x1000;
	v17 =	vor.u32 v21, v17;
	v10 =	vand.u32 $0x7F, v10  }
0xf0: {  	s22 =	sand.u32 $0x1C0, s3;
	[sflag:s18] =	ssyncset.done $0x0;
	s7 =	sand.u32 $0x100, s31;
	v18 =	vor.u32 v10, v19;
	v19 =	vor.u32 v14, v17;
	v10 =	vadd.f32 v15, v11  }
0xf1: {  	[sflag:s18] =	ssyncadd.s32 $0xFFFFF000;
	s4 =	sor.u32 s7, s23;
	v11 =	vadd.f32 v12, v13;
	v13 =	vmov s8;
	s8 =	simm.s32 $0x0;
	v12 =	vor.u32 v21, v18  }
0xf2: {  	v9 =	vadd.f32 v20, v9;
	v20 =	vor.u32 s22, v0;
	s4 =	sshrl.u32 s4, $0x2;
	s24 =	sand.u32 $0x380, s8;
	v23 =	vor.u32 v14, v12;
	v15 =	vld.idx.msk [tilespmem:v22+s19+$0x0], $0xffff  }
0xf3: {  	v20 =	vand.u32 $0x7C, v20;
	v17 =	vor.u32 s22, v1;
	v18 =	vor.u32 s22, v2;
	s4 =	sor.u32 s24, s4;
	v24 =	vld.idx.msk [tilespmem:v16+s19+$0x0], $0xffff  }
0xf4: {  	v21 =	vshll.u32 v13, $0x9;
	v13 =	vshll.u32 v13, $0x7;
	v17 =	vand.u32 $0x7D, v17;
	v27 =	vld [tilespmem:s4+$0x10000]  }
0xf5: {  	v12 =	vor.u32 s22, v3;
	v14 =	vmov s22;
	v26 =	vand.u32 $0x7E, v18;
	v25 =	vld.idx.msk [tilespmem:v19+s19+$0x0], $0xffff  }
0xf6: {  	v21 =	vand.u32 $0x3000, v21;
	v13 =	vand.u32 $0x380, v13;
	v12 =	vand.u32 $0x7F, v12;
	v22 =	vld.idx.msk [tilespmem:v22+s2+$0x0], $0xffff  }
0xf7: {  	v28 =	vshll.u32 v14, $0x3;
	v17 =	vor.u32 v17, v21;
	v18 =	vld.idx.msk [tilespmem:v23+s19+$0x0], $0xffff;
	v29 =	vadd.f32 v15, v8  }
0xf8: {  	v26 =	vor.u32 v26, v21;
	v14 =	vor.u32 v12, v21;
	v12 =	vand.u32 $0xC00, v28;
	v28 =	vld.idx.msk [tilespmem:v16+s2+$0x0], $0xffff  }
0xf9: {  	v20 =	vor.u32 v20, v21;
	v21 =	vadd.f32 v24, v8;
	(erf) = vrcp.f32 v29  }
0xfa: {  	v17 =	vor.u32 v13, v17;
	v16 =	vor.u32 v13, v26;
	v26 =	vadd.f32 v25, v8  }
0xfb: {  	v20 =	vor.u32 v13, v20;
	v30 =	vshrl.u32 v27, $0x18;
	v29 =	vld.idx.msk [tilespmem:v19+s2+$0x0], $0xffff;
	(erf) = vrcp.f32 v21  }
0xfc: {  	v22 =	vmul.f32 v22, v7;
	v31 =	vadd.f32 v18, v8;
	(erf) = vrcp.f32 v26  }
0xfd: {  	v23 =	vld.idx.msk [tilespmem:v23+s2+$0x0], $0xffff;
	v62 =	vmul.f32 v15, v6;
	v28 =	vmul.f32 v28, v7;
	v19 =	vand.u32 $0x1, v27  }
0xfe: {  	v22 =	vadd.f32 v22, v5;
	v25 =	vmul.f32 v25, v6;
	(erf) = vrcp.f32 v31  }
0xff: {  	v21 =	vshrl.u32 v27, $0x10;
	v26 =	vshrl.u32 v27, $0x8;
	v27 =	vand.u32 $0x1, v30  }
0x100: {  	v22 =	vadd.f32 v62, v22;
	v63 =	vand.u32 $0x1, v26;
	v26 =	vmul.f32 v29, v7  }
0x101: {  	v15 =	vcvt.s32.f32 v27;
	v27 =	vadd.f32 v28, v5;
	v28 =	vmul.f32 v24, v6  }
0x102: {  	v19 =	vcvt.s32.f32 v19;
	v24 =	vadd.f32 v26, v5;
	v26 =	vmul.f32 v23, v7;
	v23 =	vpop (erf)  }
0x103: {  	s5 =	simm.s32 $0x0;
	s22 =	simm.s32 $0x2;
	s4 =	simm.s32 $0x1;
	v27 =	vadd.f32 v28, v27;
	v23 =	vmul.f32 v23, v22;
	v22 =	vcvt.s32.f32 v63  }
.LBB2_6:
0x104: {  	p0 =	sne.s32 s22, $0xFF;
	v24 =	vadd.f32 v25, v24;
	v25 =	vadd.f32 v26, v5;
	v18 =	vmul.f32 v18, v6;
	v26 =	vpop (erf)  }
0x105: {  	v21 =	vand.u32 $0x1, v21;
	v28 =	vmul.f32 v19, v23;
	v26 =	vmul.f32 v26, v27;
	v27 =	vpop (erf)  }
0x106: {  	v21 =	vcvt.s32.f32 v21;
	v24 =	vmul.f32 v27, v24;
	v18 =	vadd.f32 v18, v25  }
0x107: {  	v20 =	vor.u32 v12, v20;
	v23 =	vmul.f32 v28, v23;
	v25 =	vmul.f32 v22, v26;
	v27 =	vpop (erf)  }
0x108: {  	v9 =	vadd.f32 v19, v9;
	v19 =	vmul.f32 v21, v24;
	v18 =	vmul.f32 v27, v18  }
0x109: {  	v10 =	vadd.f32 v28, v10;
	v11 =	vadd.f32 v23, v11;
	v23 =	vmul.f32 v25, v26  }
0x10a: {  	v17 =	vor.u32 v12, v17;
	v9 =	vadd.f32 v22, v9;
	v22 =	vmul.f32 v15, v18  }
0x10b: {  	v10 =	vadd.f32 v25, v10;
	v11 =	vadd.f32 v23, v11;
	v23 =	vmul.f32 v19, v24  }
0x10c: {  	v13 =	vor.u32 v13, v14;
	s31 =	sadd.s32 $0x100, s31;
	v9 =	vadd.f32 v21, v9;
	v24 =	vor.u32 v12, v16  }
0x10d: {  	s7 =	sshrl.u32 s22, $0x3;
	s3 =	sadd.s32 $0x40, s3;
	s5 =	sadd.s32 $0x800, s5;
	v10 =	vadd.f32 v19, v10;
	v14 =	vmul.f32 v22, v18;
	v11 =	vadd.f32 v23, v11  }
0x10e: {  	s8 =	sand.u32 $0x3000, s5;
	s23 =	sand.u32 $0x100, s31;
	v9 =	vadd.f32 v15, v9;
	v16 =	vmov s7;
	s7 =	sand.u32 $0x1C0, s3;
	v19 =	vor.u32 v12, v13;
	v23 =	vld.idx.msk [tilespmem:v20+s19+$0x0], $0xffff  }
0x10f: {  	s24 =	sshll.u32 s4, $0x2;
	s4 =	smov.u32 s22;
	s8 =	sor.u32 s23, s8;
	v12 =	vor.u32 s7, v3;
	v10 =	vadd.f32 v22, v10;
	v11 =	vadd.f32 v14, v11  }
0x110: {  	s23 =	sand.u32 $0x380, s24;
	s8 =	sshrl.u32 s8, $0x2;
	v13 =	vmov s7;
	v15 =	vor.u32 s7, v2;
	v14 =	vor.u32 s7, v1;
	v22 =	vld.idx.msk [tilespmem:v17+s19+$0x0], $0xffff  }
0x111: {  	v18 =	vor.u32 s7, v0;
	v21 =	vshll.u32 v16, $0x9;
	v16 =	vshll.u32 v16, $0x7;
	s7 =	sor.u32 s23, s8;
	v25 =	vld.idx.msk [tilespmem:v24+s19+$0x0], $0xffff  }
0x112: {  	v15 =	vand.u32 $0x7E, v15;
	v12 =	vand.u32 $0x7F, v12;
	v26 =	vand.u32 $0x7D, v14;
	v27 =	vld [tilespmem:s7+$0x10000]  }
0x113: {  	v28 =	vand.u32 $0x7C, v18;
	v21 =	vand.u32 $0x3000, v21;
	v29 =	vshll.u32 v13, $0x3;
	v18 =	vld.idx.msk [tilespmem:v19+s19+$0x0], $0xffff  }
0x114: {  	v13 =	vand.u32 $0x380, v16;
	v14 =	vor.u32 v12, v21;
	v16 =	vadd.f32 v23, v8;
	v30 =	vld.idx.msk [tilespmem:v20+s2+$0x0], $0xffff  }
0x115: {  	v15 =	vor.u32 v15, v21;
	v12 =	vand.u32 $0xC00, v29;
	v20 =	vor.u32 v26, v21  }
0x116: {  	v21 =	vor.u32 v28, v21;
	v28 =	vadd.f32 v22, v8;
	v26 =	vld.idx.msk [tilespmem:v17+s2+$0x0], $0xffff;
	(erf) = vrcp.f32 v16  }
0x117: {  	v17 =	vor.u32 v13, v20;
	v16 =	vor.u32 v13, v15;
	v15 =	vld.idx.msk [tilespmem:v24+s2+$0x0], $0xffff;
	v24 =	vadd.f32 v25, v8  }
0x118: {  	v20 =	vor.u32 v13, v21;
	v29 =	vshrl.u32 v27, $0x18;
	(erf) = vrcp.f32 v28  }
0x119: {  	v21 =	vshrl.u32 v27, $0x10;
	v31 =	vadd.f32 v18, v8;
	v28 =	vld.idx.msk [tilespmem:v19+s2+$0x0], $0xffff;
	(erf) = vrcp.f32 v24  }
0x11a: {  	v19 =	vand.u32 $0x1, v27;
	v24 =	vmul.f32 v30, v7;
	v27 =	vshrl.u32 v27, $0x8  }
0x11b: {  	v29 =	vand.u32 $0x1, v29;
	v19 =	vcvt.s32.f32 v19;
	(erf) = vrcp.f32 v31  }
.Ltmp2:
0x11c: {  	v23 =	vmul.f32 v23, v6;
	v24 =	vadd.f32 v24, v5;
	v26 =	vmul.f32 v26, v7;
	(pc) =	sbr.rel @p0 .LBB2_6-.Ltmp2, $4  }
0x11d: {  	v27 =	vand.u32 $0x1, v27;
	v30 =	vmul.f32 v15, v7;
	v15 =	vcvt.s32.f32 v29  }
0x11e: {  	v31 =	vmul.f32 v22, v6;
	v23 =	vadd.f32 v23, v24;
	v29 =	vadd.f32 v26, v5  }
0x11f: {  	v25 =	vmul.f32 v25, v6;
	v24 =	vadd.f32 v30, v5;
	v26 =	vmul.f32 v28, v7;
	v22 =	vpop (erf)  }
0x120: {  	s22 =	sadd.s32 $0x1, s22;
	v23 =	vmul.f32 v22, v23;
	v22 =	vcvt.s32.f32 v27;
	v27 =	vadd.f32 v31, v29  }
0x121: {  	v20 =	vor.u32 v12, v20  }
0x122: {  	v17 =	vor.u32 v12, v17  }
0x123: {  	v24 =	vadd.f32 v25, v24;
	v57 =	vadd.f32 v26, v5;
	v16 =	vor.u32 v12, v16  }
0x124: {  	v18 =	vmul.f32 v18, v6;
	v58 =	vpop (erf);
	v21 =	vand.u32 $0x1, v21;
	v13 =	vor.u32 v13, v14;
	s3 =	sadd.s32 $0x100, s31;
	s5 =	sadd.s32 $0x800, s5  }
0x125: {  	v9 =	vadd.f32 v19, v9;
	v28 =	vmul.f32 v19, v23;
	v26 =	vmul.f32 v58, v27;
	v59 =	vpop (erf);
	s5 =	sand.u32 $0x3000, s5;
	s3 =	sand.u32 $0x100, s3  }
0x126: {  	s4 =	sshll.u32 s4, $0x2;
	v21 =	vcvt.s32.f32 v21;
	v30 =	vor.u32 v12, v13;
	v24 =	vmul.f32 v59, v24;
	s3 =	sor.u32 s3, s5;
	v63 =	vld.idx.msk [tilespmem:v20+s19+$0x0], $0xffff  }
0x127: {  	s4 =	sand.u32 $0x380, s4;
	v18 =	vadd.f32 v18, v57;
	v60 =	vmul.f32 v28, v23;
	v61 =	vmul.f32 v22, v26;
	s3 =	sshrl.u32 s3, $0x2;
	v33 =	vld.idx.msk [tilespmem:v17+s19+$0x0], $0xffff  }
0x128: {  	v9 =	vadd.f32 v22, v9;
	v10 =	vadd.f32 v28, v10;
	s3 =	sor.u32 s4, s3;
	v35 =	vld.idx.msk [tilespmem:v16+s19+$0x0], $0xffff  }
0x129: {  	v62 =	vpop (erf);
	v31 =	vmul.f32 v21, v24;
	v11 =	vadd.f32 v60, v11;
	v32 =	vmul.f32 v61, v26;
	v37 =	vld [tilespmem:s3+$0x10000]  }
0x12a: {  	v18 =	vmul.f32 v62, v18;
	v9 =	vadd.f32 v21, v9;
	v10 =	vadd.f32 v61, v10;
	v41 =	vld.idx.msk [tilespmem:v20+s2+$0x0], $0xffff  }
0x12b: {  	v36 =	vmul.f32 v31, v24;
	v38 =	vld.idx.msk [tilespmem:v30+s19+$0x0], $0xffff;
	v11 =	vadd.f32 v32, v11;
	v39 =	vadd.f32 v63, v8  }
0x12c: {  	v17 =	vld.idx.msk [tilespmem:v17+s2+$0x0], $0xffff;
	v34 =	vmul.f32 v15, v18;
	v9 =	vadd.f32 v15, v9;
	v10 =	vadd.f32 v31, v10  }
0x12d: {  	v44 =	vld.idx.msk [tilespmem:v16+s2+$0x0], $0xffff;
	v11 =	vadd.f32 v36, v11;
	v42 =	vadd.f32 v33, v8;
	(erf) = vrcp.f32 v39  }
0x12e: {  	v40 =	vmul.f32 v34, v18;
	v10 =	vadd.f32 v34, v10;
	v43 =	vadd.f32 v35, v8  }
0x12f: {  	v12 =	vld.idx.msk [tilespmem:v30+s2+$0x0], $0xffff;
	v45 =	vshrl.u32 v37, $0x18;
	v46 =	vshrl.u32 v37, $0x10;
	(erf) = vrcp.f32 v42  }
0x130: {  	v14 =	vmul.f32 v41, v7;
	v47 =	vadd.f32 v38, v8;
	(erf) = vrcp.f32 v43  }
0x131: {  	v48 =	vand.u32 $0x1, v37;
	v51 =	vmul.f32 v63, v6;
	v17 =	vmul.f32 v17, v7  }
0x132: {  	v49 =	vshrl.u32 v37, $0x8;
	v13 =	vmul.f32 v44, v7;
	(erf) = vrcp.f32 v47  }
0x133: {  	v53 =	vmul.f32 v33, v6;
	v54 =	vmul.f32 v35, v6;
	v50 =	vadd.f32 v14, v5  }
0x134: {  	v18 =	vcvt.s32.f32 v48;
	v16 =	vand.u32 $0x1, v45;
	v7 =	vmul.f32 v12, v7  }
0x135: {  	v20 =	vand.u32 $0x1, v49;
	v52 =	vadd.f32 v17, v5;
	v8 =	vadd.f32 v51, v50  }
0x136: {  	v6 =	vmul.f32 v38, v6;
	v58 =	vand.u32 $0x1, v46;
	v13 =	vadd.f32 v13, v5;
	v55 =	vpop (erf)  }
0x137: {  	v16 =	vcvt.s32.f32 v16;
	v14 =	vadd.f32 v53, v52;
	v8 =	vmul.f32 v55, v8  }
0x138: {  	v56 =	vcvt.s32.f32 v20;
	v5 =	vadd.f32 v7, v5;
	v13 =	vadd.f32 v54, v13;
	v7 =	vpop (erf)  }
0x139: {  	v9 =	vadd.f32 v18, v9;
	v7 =	vmul.f32 v7, v14;
	v59 =	vpop (erf);
	v57 =	vmul.f32 v18, v8  }
0x13a: {  	v5 =	vadd.f32 v6, v5;
	v14 =	vcvt.s32.f32 v58;
	v13 =	vmul.f32 v59, v13  }
0x13b: {  	v11 =	vadd.f32 v40, v11;
	v61 =	vpop (erf);
	v60 =	vmul.f32 v56, v7;
	v6 =	vmul.f32 v57, v8  }
0x13c: {  	v9 =	vadd.f32 v56, v9;
	v5 =	vmul.f32 v61, v5;
	v10 =	vadd.f32 v57, v10  }
0x13d: {  	v62 =	vmul.f32 v14, v13;
	v7 =	vmul.f32 v60, v7;
	v6 =	vadd.f32 v6, v11  }
0x13e: {  	v9 =	vadd.f32 v14, v9;
	v8 =	vadd.f32 v60, v10  }
0x13f: {  	v63 =	vmul.f32 v16, v5;
	v6 =	vadd.f32 v7, v6;
	v7 =	vmul.f32 v62, v13  }
0x140: {  	v8 =	vadd.f32 v62, v8  }
0x141: {  	v5 =	vmul.f32 v63, v5;
	v6 =	vadd.f32 v7, v6;
	v7 =	vadd.f32 v16, v9  }
0x142: {  	[tilespmem:$0x12580] =	vst v4;
	v8 =	vadd.f32 v63, v8  }
0x143: {  	s1 =	sadd.s32 $0x1, s1;
	v5 =	vadd.f32 v5, v6;
	[tilespmem:$0x12400] =	vst v7  }
0x144: {  	p0 =	sne.s32 s1, s14;
	[tilespmem:$0x12480] =	vst v8  }
.Ltmp3:
0x145: {  	s31 =	simm.s32 $0x12400;
	[tilespmem:$0x12500] =	vst v5;
	(pc) =	sbr.rel @p0 .LBB2_1-.Ltmp3, $4  }
0x146: {  	[hbm4b:s13+s2] =	stream.linear.scatter [tilespmem:s31], [sflag:$0x4], $0x200, $0x38;
	[tilespmem:$0x12600] =	vst v63  }
0x147: {  	_ =	swait.ge [sflag:s0], $0x200  }
0x148: {  	[sflag:s0] =	ssyncset.done $0x0  }
0x149: {  	[sflag:s0] =	ssyncadd.s32 $0xFFFFFE00  }
0x14a: {  	_ =	sfence.sel $0x180000  }
0x14b: {  	[bflag:$0x0] =	sbarrier.arrive $0xFFFF  }
0x14c: {  	_ =	strace $0x90000047  }
0x14d: {  	s0 =	stileid.u32;
	[bflag:$0x2] =	sbarrier.arrive $0xFFFF  }
0x14e: {  	p0 =	sne.s32 s0, $0x0;
	s0 =	rddreg [dreg:$0x3]  }
0x14f: {  	s0 =	sadd.s32 @!p0 $0x100000, s0  }
0x150: {  	[sflag:s0] =	ssyncadd.tile.s32 @!p0 $0x1;
	_ =	shalt  }
.Lfunc_end2:
_tile_overlayer_lowered:
.L_overlay_start_2:
0x151: {  	(tag) =	ssettag $0x2  }
0x152: {  	s0 =	rddreg [dreg:$0x0];
	s2 =	stileid.u32  }
0x153: {  	s1 =	rddreg [dreg:$0x1];
	p0 =	sne.s32 s2, $0x0  }
0x154: {  	s3 =	rddreg [dreg:$0x2];
	[bflag:$0x3] =	sbarrier.arrive $0xFFFF;
	s2 =	simm.s32 @!p0 $0x1C04  }
0x155: {  	[timem:s3], [sflag:s2] =	dma.local @!p0 [hbm:s0], s1  }
0x156: {  	s0 =	simm.s32 @!p0 $0x4  }
0x157: {  	_ =	swait.ge @!p0 [sflag:s0], s1  }
0x158: {  	s1 =	ssub.s32 @!p0 $0x0, s1;
	[sflag:s0] =	ssyncset.done @!p0 $0x0  }
0x159: {  	[sflag:s0] =	ssyncadd.s32 @!p0 s1  }
0x15a: {  	[bflag:$0x3] =	sbarrier.arrive $0xFFFF  }
0x15b: {  	_ =	shalt  }

</sc_bundles>
